<compile_context>
chip_gen: v7x
topology: tpu7x:2x2x1
jax: 0.10.2.dev20260603
libtpu: 0.0.44.dev20260713+nightly
codegen_flags: <defaults>
</compile_context>

<pallas_src>
import functools

import jax
import jax.numpy as jnp
from jax.experimental import pallas as pl
from jax.experimental.pallas import tpu as pltpu
from jax.experimental.shard_map import shard_map
from jax.sharding import PartitionSpec as P

_N = 64
_K = 9
_CP = 128
_TILE = 256


def _layer_body(h_ref, xs_ref, xst_ref, wt_ref, b_ref, tri_ref, out_ref,
                y_ref, *, relu: bool):
    @pl.when(pl.program_id(1) == 0)
    def _():
        for k in range(_K):
            y_ref[k * _N:(k + 1) * _N, :] = jnp.dot(
                xs_ref[0].astype(jnp.bfloat16),
                wt_ref[k].astype(jnp.bfloat16),
                preferred_element_type=jnp.float32)

    xt = h_ref[0]
    xst = xst_ref[0]
    dot = jnp.dot(xt.astype(jnp.bfloat16), xst.astype(jnp.bfloat16),
                  preferred_element_type=jnp.float32)
    x2 = jnp.sum(xt * xt, axis=1, keepdims=True)
    s2 = jnp.sum(xst * xst, axis=0, keepdims=True)
    sim = -((x2 - 2.0 * dot) + s2)

    a = sim[:, None, :]
    bm = sim[:, :, None]
    del tri_ref
    tri = (jax.lax.broadcasted_iota(jnp.int32, (_N, _N), 0)
           < jax.lax.broadcasted_iota(jnp.int32, (_N, _N), 1))[None]
    cond = (bm > a) | ((bm == a) & tri)
    rank = jnp.sum(cond.astype(jnp.int32), axis=1)

    ranks_tiled = jnp.concatenate([rank] * _K, axis=1)
    kcol = jax.lax.broadcasted_iota(jnp.int32, (_TILE, _K * _N), 1) // _N
    p = (ranks_tiled == kcol).astype(jnp.float32)

    o = jnp.dot(p, y_ref[:, :], preferred_element_type=jnp.float32,
                precision=jax.lax.Precision.HIGHEST)
    o = o + b_ref[...]
    if relu:
        o = jnp.maximum(o, 0.0)
    out_ref[0] = o


def _layer(h, xs, wl, bl, relu):
    B, T, _ = h.shape
    co, c, _ = wl.shape
    xst = xs.transpose(0, 2, 1)
    wt = jnp.pad(wl.transpose(2, 1, 0),
                 ((0, 0), (0, _CP - c), (0, _CP - co)))
    b_pad = jnp.pad(bl, (0, _CP - co)).reshape(1, _CP)
    tri = (jnp.arange(_N)[:, None] < jnp.arange(_N)[None, :]).astype(jnp.int32)
    grid = (B, T // _TILE)
    return pl.pallas_call(
        functools.partial(_layer_body, relu=relu),
        grid=grid,
        in_specs=[
            pl.BlockSpec((1, _TILE, _CP), lambda b, t: (b, t, 0)),
            pl.BlockSpec((1, _N, _CP), lambda b, t: (b, 0, 0)),
            pl.BlockSpec((1, _CP, _N), lambda b, t: (b, 0, 0)),
            pl.BlockSpec((_K, _CP, _CP), lambda b, t: (0, 0, 0)),
            pl.BlockSpec((1, _CP), lambda b, t: (0, 0)),
            pl.BlockSpec((_N, _N), lambda b, t: (0, 0)),
        ],
        out_specs=pl.BlockSpec((1, _TILE, _CP), lambda b, t: (b, t, 0)),
        out_shape=jax.ShapeDtypeStruct((B, T, _CP), jnp.float32),
        scratch_shapes=[pltpu.VMEM((_K * _N, _CP), jnp.float32)],
    )(h, xs, xst, wt, b_pad, tri)


def _gather_anchors(h_local, idx, offset, t_local):
    local_pos = jnp.clip(idx - offset, 0, t_local - 1)
    xs_l = jnp.take(h_local, local_pos, axis=1)
    own = ((idx >= offset) & (idx < offset + t_local))[None, :, None]
    return jax.lax.psum(jnp.where(own, xs_l, 0.0), "tok")


def _network_sharded(h, W1, b1, W2, b2, W3, b3, idx):
    t_local = h.shape[1]
    offset = jax.lax.axis_index("tok") * t_local
    xs = _gather_anchors(h, idx, offset, t_local)
    h = _layer(h, xs, W1, b1, relu=True)
    xs = _gather_anchors(h, idx, offset, t_local)
    h = _layer(h, xs, W2, b2, relu=True)
    xs = _gather_anchors(h, idx, offset, t_local)
    h = _layer(h, xs, W3, b3, relu=False)
    return h


def kernel(x, W1, b1, W2, b2, W3, b3):
    B, C, H, W = x.shape
    r = 2
    xu = x.reshape(B, C, H // r, r, W // r, r).transpose(0, 1, 3, 5, 2, 4)
    xu = xu.reshape(B, C * r * r, (H // r) * (W // r))
    T = xu.shape[-1]
    h = jnp.pad(xu.transpose(0, 2, 1), ((0, 0), (0, 0), (0, _CP - C * r * r)))

    idx = jnp.linspace(0, T - 1, _N).astype(jnp.int32)

    devs = jax.devices()
    nd = len(devs) if T % (len(devs) * _TILE) == 0 else 1
    if nd > 1:
        mesh = jax.make_mesh((nd,), ("tok",), devices=devs[:nd])
        tok_s = jax.sharding.NamedSharding(mesh, P(None, "tok", None))
        rep_s = jax.sharding.NamedSharding(mesh, P())
        h = jax.reshard(h, tok_s)
        W1, b1, W2, b2, W3, b3 = (jax.reshard(v, rep_s)
                                  for v in (W1, b1, W2, b2, W3, b3))
        fn = shard_map(
            functools.partial(_network_sharded, idx=idx),
            mesh=mesh,
            in_specs=(P(None, "tok", None), P(), P(), P(), P(), P(), P()),
            out_specs=P(None, "tok", None),
            check_rep=False,
        )
        h = fn(h, W1, b1, W2, b2, W3, b3)
        h = jax.reshard(h[:, :, :W3.shape[0]], rep_s)
    else:
        xs = jnp.take(h, idx, axis=1)
        h = _layer(h, xs, W1, b1, relu=True)
        xs = jnp.take(h, idx, axis=1)
        h = _layer(h, xs, W2, b2, relu=True)
        xs = jnp.take(h, idx, axis=1)
        h = _layer(h, xs, W3, b3, relu=False)

    co = W3.shape[0]
    out = h[:, :, :co].transpose(0, 2, 1).reshape(B, co, H // r, W // r)
    cf = co // (r * r)
    out = out.reshape(B, cf, r, r, H // r, W // r).transpose(0, 1, 4, 2, 5, 3)
    return out.reshape(B, cf, H, W)

# --- scband reference (transcript-rebuilt; emitter-appended) ---
"""Pipeline reference for scband-denoising-conv-nn-2-d-k-n-25039659335747 (READ-ONLY COPY).

The authoritative reference and input builder live on the scoring server;
editing this copy changes nothing except your own understanding.
"""

import jax, jax.numpy as jnp
import numpy as np


def pixel_unshuffle(x, r):
    B, C, H, W = x.shape
    x = x.reshape(B, C, H // r, r, W // r, r)
    x = x.transpose(0, 1, 3, 5, 2, 4)
    return x.reshape(B, C * r * r, H // r, W // r)


def pixel_shuffle(x, r):
    B, C, H, W = x.shape
    x = x.reshape(B, C // (r * r), r, r, H, W)
    x = x.transpose(0, 1, 4, 2, 5, 3)
    return x.reshape(B, C // (r * r), H * r, W * r)


def conv2d_nn(x, W, b, K, N):
    # Conv2d_NN with shuffle_pattern='BA', shuffle_scale=2, samples=N:
    # PixelUnshuffle(2) Before -> flatten -> KNN over N sampled tokens ->
    # gather K nearest sampled neighbors per token -> Conv1d(kernel=K, stride=K)
    # -> unflatten -> PixelShuffle(2) After.
    x = pixel_unshuffle(x, 2)
    B, C, H, Wd = x.shape
    T = H * Wd
    xf = x.reshape(B, C, T)
    # deterministic evenly-spaced sample of N anchor tokens
    idx = jnp.linspace(0, T - 1, N).astype(jnp.int32)
    xs = xf[:, :, idx]  # [B, C, N]
    # similarity = negative squared euclidean distance
    x2 = jnp.sum(xf * xf, axis=1)  # [B, T]
    s2 = jnp.sum(xs * xs, axis=1)  # [B, N]
    dot = jnp.einsum('bct,bcn->btn', xf, xs)  # [B, T, N]
    sim = -(x2[:, :, None] - 2.0 * dot + s2[:, None, :])
    _, nbr = jax.lax.top_k(sim, K)  # [B, T, K] indices into the N samples
    # gather K nearest sampled-token features for every token
    gathered = jax.vmap(lambda s, n: s[:, n])(xs, nbr)  # [B, C, T, K]
    seq = gathered.reshape(B, C, T * K)
    out = jax.lax.conv_general_dilated(seq, W, window_strides=(K,), padding='VALID', dimension_numbers=('NCH', 'OIH', 'NCH'))
    out = out + b[None, :, None]
    Co = out.shape[1]
    out = out.reshape(B, Co, H, Wd)
    return pixel_shuffle(out, 2)


def setup_inputs(seed: int = 0):
    key = jax.random.key(seed)
    ks = jax.random.split(key, 8)
    x = jax.random.uniform(ks[0], (2, 3, 384, 384), dtype=jnp.float32)
    # conv1d weights live on the PixelUnshuffled channel counts (x4)
    W1 = jax.random.normal(ks[1], (64, 12, 9), dtype=jnp.float32) * 0.05
    b1 = jnp.zeros((64,), dtype=jnp.float32)
    W2 = jax.random.normal(ks[2], (128, 64, 9), dtype=jnp.float32) * 0.05
    b2 = jnp.zeros((128,), dtype=jnp.float32)
    W3 = jax.random.normal(ks[3], (12, 128, 9), dtype=jnp.float32) * 0.05
    b3 = jnp.zeros((12,), dtype=jnp.float32)
    return {"x": x, "W1": W1, "b1": b1, "W2": W2, "b2": b2, "W3": W3, "b3": b3}


def reference(x, W1, b1, W2, b2, W3, b3):
    K, N = 9, 64
    h = jax.nn.relu(conv2d_nn(x, W1, b1, K, N))
    h = jax.nn.relu(conv2d_nn(h, W2, b2, K, N))
    return conv2d_nn(h, W3, b3, K, N)

if __name__ == "__main__":
    import jax
    _d = setup_inputs()
    print(jax.jit(kernel)(*tuple(_d.values())))

</pallas_src>

<mosaic_0001>
module attributes {stable_mosaic.version = 14 : i64} {
  func.func @_layer_body(%arg0: i32, %arg1: i32, %arg2: memref<1x256x128xf32, #tpu.memory_space<vmem>>, %arg3: memref<1x64x128xf32, #tpu.memory_space<vmem>>, %arg4: memref<1x128x64xf32, #tpu.memory_space<vmem>>, %arg5: memref<9x128x128xf32, #tpu.memory_space<vmem>>, %arg6: memref<1x128xf32, #tpu.memory_space<vmem>>, %arg7: memref<64x64xi32, #tpu.memory_space<vmem>>, %arg8: memref<1x256x128xf32, #tpu.memory_space<vmem>>, %arg9: memref<576x128xf32, #tpu.memory_space<vmem>>) attributes {dimension_semantics = [#tpu.dimension_semantics<arbitrary>, #tpu.dimension_semantics<arbitrary>], iteration_bounds = array<i64: 2, 144>, scalar_prefetch = 0 : i64, scratch_operands = 1 : i64, tpu.core_type = #tpu.core_type<tc>, window_params = [{transform_indices = @transform_0, window_bounds = array<i64: 1, 256, 128>}, {transform_indices = @transform_1, window_bounds = array<i64: 1, 64, 128>}, {transform_indices = @transform_2, window_bounds = array<i64: 1, 128, 64>}, {pipeline_mode = #tpu.pipeline_mode<synchronous>, transform_indices = @transform_3, window_bounds = array<i64: 9, 128, 128>}, {pipeline_mode = #tpu.pipeline_mode<synchronous>, transform_indices = @transform_4, window_bounds = array<i64: 1, 128>}, {pipeline_mode = #tpu.pipeline_mode<synchronous>, transform_indices = @transform_5, window_bounds = array<i64: 64, 64>}, {transform_indices = @transform_6, window_bounds = array<i64: 1, 256, 128>}]} {
    %eq3A = arith.constant 0 : i32
    %eq3A_0 = arith.cmpi eq, %arg1, %eq3A : i32
    %convert_element_type3A = arith.extui %eq3A_0 : i1 to i32
    %cond3A = arith.constant 0 : i32
    %cond3A_1 = arith.cmpi ne, %convert_element_type3A, %cond3A : i32
    scf.if %cond3A_1 {
      %get3A_85 = arith.constant 0 : index
      %get3A_86 = arith.constant 0 : index
      %get3A_87 = arith.constant 0 : index
      %get3A_88 = vector.load %arg3[%get3A_85, %get3A_86, %get3A_87] : memref<1x64x128xf32, #tpu.memory_space<vmem>>, vector<1x64x128xf32>
      %get3A_89 = vector.shape_cast %get3A_88 : vector<1x64x128xf32> to vector<64x128xf32>
      %convert_element_type3A_90 = arith.truncf %get3A_89 : vector<64x128xf32> to vector<64x128xbf16>
      %get3A_91 = arith.constant 0 : index
      %get3A_92 = arith.constant 0 : index
      %get3A_93 = arith.constant 0 : index
      %get3A_94 = vector.load %arg5[%get3A_91, %get3A_92, %get3A_93] : memref<9x128x128xf32, #tpu.memory_space<vmem>>, vector<1x128x128xf32>
      %get3A_95 = vector.shape_cast %get3A_94 : vector<1x128x128xf32> to vector<128x128xf32>
      %convert_element_type3A_96 = arith.truncf %get3A_95 : vector<128x128xf32> to vector<128x128xbf16>
      %dot_general3A_97 = arith.constant dense<0.000000e+00> : vector<64x128xf32>
      %dot_general3A_98 = tpu.matmul %convert_element_type3A_90, %convert_element_type3A_96, %dot_general3A_97 {dimension_numbers = #tpu.dot_dimension_numbers<[1], [0], [0], [1], [0, 0, 1, 1], [], []>, transpose_lhs_hint = false} : vector<64x128xbf16>, vector<128x128xbf16>, vector<64x128xf32> -> vector<64x128xf32>
      %swap3A_99 = arith.constant 0 : index
      %swap3A_100 = arith.constant 0 : index
      %swap3A_101 = vector.load %arg9[%swap3A_99, %swap3A_100] : memref<576x128xf32, #tpu.memory_space<vmem>>, vector<64x128xf32>
      tpu.vector_store %arg9[%swap3A_99, %swap3A_100], %dot_general3A_98 {strides = array<i32>} : memref<576x128xf32, #tpu.memory_space<vmem>>, vector<64x128xf32>,
      %get3A_102 = arith.constant 0 : index
      %get3A_103 = arith.constant 0 : index
      %get3A_104 = arith.constant 0 : index
      %get3A_105 = vector.load %arg3[%get3A_102, %get3A_103, %get3A_104] : memref<1x64x128xf32, #tpu.memory_space<vmem>>, vector<1x64x128xf32>
      %get3A_106 = vector.shape_cast %get3A_105 : vector<1x64x128xf32> to vector<64x128xf32>
      %convert_element_type3A_107 = arith.truncf %get3A_106 : vector<64x128xf32> to vector<64x128xbf16>
      %get3A_108 = arith.constant 1 : index
      %get3A_109 = arith.constant 0 : index
      %get3A_110 = arith.constant 0 : index
      %get3A_111 = vector.load %arg5[%get3A_108, %get3A_109, %get3A_110] : memref<9x128x128xf32, #tpu.memory_space<vmem>>, vector<1x128x128xf32>
      %get3A_112 = vector.shape_cast %get3A_111 : vector<1x128x128xf32> to vector<128x128xf32>
      %convert_element_type3A_113 = arith.truncf %get3A_112 : vector<128x128xf32> to vector<128x128xbf16>
      %dot_general3A_114 = arith.constant dense<0.000000e+00> : vector<64x128xf32>
      %dot_general3A_115 = tpu.matmul %convert_element_type3A_107, %convert_element_type3A_113, %dot_general3A_114 {dimension_numbers = #tpu.dot_dimension_numbers<[1], [0], [0], [1], [0, 0, 1, 1], [], []>, transpose_lhs_hint = false} : vector<64x128xbf16>, vector<128x128xbf16>, vector<64x128xf32> -> vector<64x128xf32>
      %swap3A_116 = arith.constant 64 : index
      %swap3A_117 = arith.constant 0 : index
      %swap3A_118 = vector.load %arg9[%swap3A_116, %swap3A_117] : memref<576x128xf32, #tpu.memory_space<vmem>>, vector<64x128xf32>
      tpu.vector_store %arg9[%swap3A_116, %swap3A_117], %dot_general3A_115 {strides = array<i32>} : memref<576x128xf32, #tpu.memory_space<vmem>>, vector<64x128xf32>,
      %get3A_119 = arith.constant 0 : index
      %get3A_120 = arith.constant 0 : index
      %get3A_121 = arith.constant 0 : index
      %get3A_122 = vector.load %arg3[%get3A_119, %get3A_120, %get3A_121] : memref<1x64x128xf32, #tpu.memory_space<vmem>>, vector<1x64x128xf32>
      %get3A_123 = vector.shape_cast %get3A_122 : vector<1x64x128xf32> to vector<64x128xf32>
      %convert_element_type3A_124 = arith.truncf %get3A_123 : vector<64x128xf32> to vector<64x128xbf16>
      %get3A_125 = arith.constant 2 : index
      %get3A_126 = arith.constant 0 : index
      %get3A_127 = arith.constant 0 : index
      %get3A_128 = vector.load %arg5[%get3A_125, %get3A_126, %get3A_127] : memref<9x128x128xf32, #tpu.memory_space<vmem>>, vector<1x128x128xf32>
      %get3A_129 = vector.shape_cast %get3A_128 : vector<1x128x128xf32> to vector<128x128xf32>
      %convert_element_type3A_130 = arith.truncf %get3A_129 : vector<128x128xf32> to vector<128x128xbf16>
      %dot_general3A_131 = arith.constant dense<0.000000e+00> : vector<64x128xf32>
      %dot_general3A_132 = tpu.matmul %convert_element_type3A_124, %convert_element_type3A_130, %dot_general3A_131 {dimension_numbers = #tpu.dot_dimension_numbers<[1], [0], [0], [1], [0, 0, 1, 1], [], []>, transpose_lhs_hint = false} : vector<64x128xbf16>, vector<128x128xbf16>, vector<64x128xf32> -> vector<64x128xf32>
      %swap3A_133 = arith.constant 128 : index
      %swap3A_134 = arith.constant 0 : index
      %swap3A_135 = vector.load %arg9[%swap3A_133, %swap3A_134] : memref<576x128xf32, #tpu.memory_space<vmem>>, vector<64x128xf32>
      tpu.vector_store %arg9[%swap3A_133, %swap3A_134], %dot_general3A_132 {strides = array<i32>} : memref<576x128xf32, #tpu.memory_space<vmem>>, vector<64x128xf32>,
      %get3A_136 = arith.constant 0 : index
      %get3A_137 = arith.constant 0 : index
      %get3A_138 = arith.constant 0 : index
      %get3A_139 = vector.load %arg3[%get3A_136, %get3A_137, %get3A_138] : memref<1x64x128xf32, #tpu.memory_space<vmem>>, vector<1x64x128xf32>
      %get3A_140 = vector.shape_cast %get3A_139 : vector<1x64x128xf32> to vector<64x128xf32>
      %convert_element_type3A_141 = arith.truncf %get3A_140 : vector<64x128xf32> to vector<64x128xbf16>
      %get3A_142 = arith.constant 3 : index
      %get3A_143 = arith.constant 0 : index
      %get3A_144 = arith.constant 0 : index
      %get3A_145 = vector.load %arg5[%get3A_142, %get3A_143, %get3A_144] : memref<9x128x128xf32, #tpu.memory_space<vmem>>, vector<1x128x128xf32>
      %get3A_146 = vector.shape_cast %get3A_145 : vector<1x128x128xf32> to vector<128x128xf32>
      %convert_element_type3A_147 = arith.truncf %get3A_146 : vector<128x128xf32> to vector<128x128xbf16>
      %dot_general3A_148 = arith.constant dense<0.000000e+00> : vector<64x128xf32>
      %dot_general3A_149 = tpu.matmul %convert_element_type3A_141, %convert_element_type3A_147, %dot_general3A_148 {dimension_numbers = #tpu.dot_dimension_numbers<[1], [0], [0], [1], [0, 0, 1, 1], [], []>, transpose_lhs_hint = false} : vector<64x128xbf16>, vector<128x128xbf16>, vector<64x128xf32> -> vector<64x128xf32>
      %swap3A_150 = arith.constant 192 : index
      %swap3A_151 = arith.constant 0 : index
      %swap3A_152 = vector.load %arg9[%swap3A_150, %swap3A_151] : memref<576x128xf32, #tpu.memory_space<vmem>>, vector<64x128xf32>
      tpu.vector_store %arg9[%swap3A_150, %swap3A_151], %dot_general3A_149 {strides = array<i32>} : memref<576x128xf32, #tpu.memory_space<vmem>>, vector<64x128xf32>,
      %get3A_153 = arith.constant 0 : index
      %get3A_154 = arith.constant 0 : index
      %get3A_155 = arith.constant 0 : index
      %get3A_156 = vector.load %arg3[%get3A_153, %get3A_154, %get3A_155] : memref<1x64x128xf32, #tpu.memory_space<vmem>>, vector<1x64x128xf32>
      %get3A_157 = vector.shape_cast %get3A_156 : vector<1x64x128xf32> to vector<64x128xf32>
      %convert_element_type3A_158 = arith.truncf %get3A_157 : vector<64x128xf32> to vector<64x128xbf16>
      %get3A_159 = arith.constant 4 : index
      %get3A_160 = arith.constant 0 : index
      %get3A_161 = arith.constant 0 : index
      %get3A_162 = vector.load %arg5[%get3A_159, %get3A_160, %get3A_161] : memref<9x128x128xf32, #tpu.memory_space<vmem>>, vector<1x128x128xf32>
      %get3A_163 = vector.shape_cast %get3A_162 : vector<1x128x128xf32> to vector<128x128xf32>
      %convert_element_type3A_164 = arith.truncf %get3A_163 : vector<128x128xf32> to vector<128x128xbf16>
      %dot_general3A_165 = arith.constant dense<0.000000e+00> : vector<64x128xf32>
      %dot_general3A_166 = tpu.matmul %convert_element_type3A_158, %convert_element_type3A_164, %dot_general3A_165 {dimension_numbers = #tpu.dot_dimension_numbers<[1], [0], [0], [1], [0, 0, 1, 1], [], []>, transpose_lhs_hint = false} : vector<64x128xbf16>, vector<128x128xbf16>, vector<64x128xf32> -> vector<64x128xf32>
      %swap3A_167 = arith.constant 256 : index
      %swap3A_168 = arith.constant 0 : index
      %swap3A_169 = vector.load %arg9[%swap3A_167, %swap3A_168] : memref<576x128xf32, #tpu.memory_space<vmem>>, vector<64x128xf32>
      tpu.vector_store %arg9[%swap3A_167, %swap3A_168], %dot_general3A_166 {strides = array<i32>} : memref<576x128xf32, #tpu.memory_space<vmem>>, vector<64x128xf32>,
      %get3A_170 = arith.constant 0 : index
      %get3A_171 = arith.constant 0 : index
      %get3A_172 = arith.constant 0 : index
      %get3A_173 = vector.load %arg3[%get3A_170, %get3A_171, %get3A_172] : memref<1x64x128xf32, #tpu.memory_space<vmem>>, vector<1x64x128xf32>
      %get3A_174 = vector.shape_cast %get3A_173 : vector<1x64x128xf32> to vector<64x128xf32>
      %convert_element_type3A_175 = arith.truncf %get3A_174 : vector<64x128xf32> to vector<64x128xbf16>
      %get3A_176 = arith.constant 5 : index
      %get3A_177 = arith.constant 0 : index
      %get3A_178 = arith.constant 0 : index
      %get3A_179 = vector.load %arg5[%get3A_176, %get3A_177, %get3A_178] : memref<9x128x128xf32, #tpu.memory_space<vmem>>, vector<1x128x128xf32>
      %get3A_180 = vector.shape_cast %get3A_179 : vector<1x128x128xf32> to vector<128x128xf32>
      %convert_element_type3A_181 = arith.truncf %get3A_180 : vector<128x128xf32> to vector<128x128xbf16>
      %dot_general3A_182 = arith.constant dense<0.000000e+00> : vector<64x128xf32>
      %dot_general3A_183 = tpu.matmul %convert_element_type3A_175, %convert_element_type3A_181, %dot_general3A_182 {dimension_numbers = #tpu.dot_dimension_numbers<[1], [0], [0], [1], [0, 0, 1, 1], [], []>, transpose_lhs_hint = false} : vector<64x128xbf16>, vector<128x128xbf16>, vector<64x128xf32> -> vector<64x128xf32>
      %swap3A_184 = arith.constant 320 : index
      %swap3A_185 = arith.constant 0 : index
      %swap3A_186 = vector.load %arg9[%swap3A_184, %swap3A_185] : memref<576x128xf32, #tpu.memory_space<vmem>>, vector<64x128xf32>
      tpu.vector_store %arg9[%swap3A_184, %swap3A_185], %dot_general3A_183 {strides = array<i32>} : memref<576x128xf32, #tpu.memory_space<vmem>>, vector<64x128xf32>,
      %get3A_187 = arith.constant 0 : index
      %get3A_188 = arith.constant 0 : index
      %get3A_189 = arith.constant 0 : index
      %get3A_190 = vector.load %arg3[%get3A_187, %get3A_188, %get3A_189] : memref<1x64x128xf32, #tpu.memory_space<vmem>>, vector<1x64x128xf32>
      %get3A_191 = vector.shape_cast %get3A_190 : vector<1x64x128xf32> to vector<64x128xf32>
      %convert_element_type3A_192 = arith.truncf %get3A_191 : vector<64x128xf32> to vector<64x128xbf16>
      %get3A_193 = arith.constant 6 : index
      %get3A_194 = arith.constant 0 : index
      %get3A_195 = arith.constant 0 : index
      %get3A_196 = vector.load %arg5[%get3A_193, %get3A_194, %get3A_195] : memref<9x128x128xf32, #tpu.memory_space<vmem>>, vector<1x128x128xf32>
      %get3A_197 = vector.shape_cast %get3A_196 : vector<1x128x128xf32> to vector<128x128xf32>
      %convert_element_type3A_198 = arith.truncf %get3A_197 : vector<128x128xf32> to vector<128x128xbf16>
      %dot_general3A_199 = arith.constant dense<0.000000e+00> : vector<64x128xf32>
      %dot_general3A_200 = tpu.matmul %convert_element_type3A_192, %convert_element_type3A_198, %dot_general3A_199 {dimension_numbers = #tpu.dot_dimension_numbers<[1], [0], [0], [1], [0, 0, 1, 1], [], []>, transpose_lhs_hint = false} : vector<64x128xbf16>, vector<128x128xbf16>, vector<64x128xf32> -> vector<64x128xf32>
      %swap3A_201 = arith.constant 384 : index
      %swap3A_202 = arith.constant 0 : index
      %swap3A_203 = vector.load %arg9[%swap3A_201, %swap3A_202] : memref<576x128xf32, #tpu.memory_space<vmem>>, vector<64x128xf32>
      tpu.vector_store %arg9[%swap3A_201, %swap3A_202], %dot_general3A_200 {strides = array<i32>} : memref<576x128xf32, #tpu.memory_space<vmem>>, vector<64x128xf32>,
      %get3A_204 = arith.constant 0 : index
      %get3A_205 = arith.constant 0 : index
      %get3A_206 = arith.constant 0 : index
      %get3A_207 = vector.load %arg3[%get3A_204, %get3A_205, %get3A_206] : memref<1x64x128xf32, #tpu.memory_space<vmem>>, vector<1x64x128xf32>
      %get3A_208 = vector.shape_cast %get3A_207 : vector<1x64x128xf32> to vector<64x128xf32>
      %convert_element_type3A_209 = arith.truncf %get3A_208 : vector<64x128xf32> to vector<64x128xbf16>
      %get3A_210 = arith.constant 7 : index
      %get3A_211 = arith.constant 0 : index
      %get3A_212 = arith.constant 0 : index
      %get3A_213 = vector.load %arg5[%get3A_210, %get3A_211, %get3A_212] : memref<9x128x128xf32, #tpu.memory_space<vmem>>, vector<1x128x128xf32>
      %get3A_214 = vector.shape_cast %get3A_213 : vector<1x128x128xf32> to vector<128x128xf32>
      %convert_element_type3A_215 = arith.truncf %get3A_214 : vector<128x128xf32> to vector<128x128xbf16>
      %dot_general3A_216 = arith.constant dense<0.000000e+00> : vector<64x128xf32>
      %dot_general3A_217 = tpu.matmul %convert_element_type3A_209, %convert_element_type3A_215, %dot_general3A_216 {dimension_numbers = #tpu.dot_dimension_numbers<[1], [0], [0], [1], [0, 0, 1, 1], [], []>, transpose_lhs_hint = false} : vector<64x128xbf16>, vector<128x128xbf16>, vector<64x128xf32> -> vector<64x128xf32>
      %swap3A_218 = arith.constant 448 : index
      %swap3A_219 = arith.constant 0 : index
      %swap3A_220 = vector.load %arg9[%swap3A_218, %swap3A_219] : memref<576x128xf32, #tpu.memory_space<vmem>>, vector<64x128xf32>
      tpu.vector_store %arg9[%swap3A_218, %swap3A_219], %dot_general3A_217 {strides = array<i32>} : memref<576x128xf32, #tpu.memory_space<vmem>>, vector<64x128xf32>,
      %get3A_221 = arith.constant 0 : index
      %get3A_222 = arith.constant 0 : index
      %get3A_223 = arith.constant 0 : index
      %get3A_224 = vector.load %arg3[%get3A_221, %get3A_222, %get3A_223] : memref<1x64x128xf32, #tpu.memory_space<vmem>>, vector<1x64x128xf32>
      %get3A_225 = vector.shape_cast %get3A_224 : vector<1x64x128xf32> to vector<64x128xf32>
      %convert_element_type3A_226 = arith.truncf %get3A_225 : vector<64x128xf32> to vector<64x128xbf16>
      %get3A_227 = arith.constant 8 : index
      %get3A_228 = arith.constant 0 : index
      %get3A_229 = arith.constant 0 : index
      %get3A_230 = vector.load %arg5[%get3A_227, %get3A_228, %get3A_229] : memref<9x128x128xf32, #tpu.memory_space<vmem>>, vector<1x128x128xf32>
      %get3A_231 = vector.shape_cast %get3A_230 : vector<1x128x128xf32> to vector<128x128xf32>
      %convert_element_type3A_232 = arith.truncf %get3A_231 : vector<128x128xf32> to vector<128x128xbf16>
      %dot_general3A_233 = arith.constant dense<0.000000e+00> : vector<64x128xf32>
      %dot_general3A_234 = tpu.matmul %convert_element_type3A_226, %convert_element_type3A_232, %dot_general3A_233 {dimension_numbers = #tpu.dot_dimension_numbers<[1], [0], [0], [1], [0, 0, 1, 1], [], []>, transpose_lhs_hint = false} : vector<64x128xbf16>, vector<128x128xbf16>, vector<64x128xf32> -> vector<64x128xf32>
      %swap3A_235 = arith.constant 512 : index
      %swap3A_236 = arith.constant 0 : index
      %swap3A_237 = vector.load %arg9[%swap3A_235, %swap3A_236] : memref<576x128xf32, #tpu.memory_space<vmem>>, vector<64x128xf32>
      tpu.vector_store %arg9[%swap3A_235, %swap3A_236], %dot_general3A_234 {strides = array<i32>} : memref<576x128xf32, #tpu.memory_space<vmem>>, vector<64x128xf32>,
    } else {
    }
    %get3A = arith.constant 0 : index
    %get3A_2 = arith.constant 0 : index
    %get3A_3 = arith.constant 0 : index
    %get3A_4 = vector.load %arg2[%get3A, %get3A_2, %get3A_3] : memref<1x256x128xf32, #tpu.memory_space<vmem>>, vector<1x256x128xf32>
    %get3A_5 = vector.shape_cast %get3A_4 : vector<1x256x128xf32> to vector<256x128xf32>
    %get3A_6 = arith.constant 0 : index
    %get3A_7 = arith.constant 0 : index
    %get3A_8 = arith.constant 0 : index
    %get3A_9 = vector.load %arg4[%get3A_6, %get3A_7, %get3A_8] : memref<1x128x64xf32, #tpu.memory_space<vmem>>, vector<1x128x64xf32>
    %get3A_10 = vector.shape_cast %get3A_9 : vector<1x128x64xf32> to vector<128x64xf32>
    %convert_element_type3A_11 = arith.truncf %get3A_5 : vector<256x128xf32> to vector<256x128xbf16>
    %convert_element_type3A_12 = arith.truncf %get3A_10 : vector<128x64xf32> to vector<128x64xbf16>
    %dot_general3A = arith.constant dense<0.000000e+00> : vector<256x64xf32>
    %dot_general3A_13 = tpu.matmul %convert_element_type3A_11, %convert_element_type3A_12, %dot_general3A {dimension_numbers = #tpu.dot_dimension_numbers<[1], [0], [0], [1], [0, 0, 1, 1], [], []>, transpose_lhs_hint = false} : vector<256x128xbf16>, vector<128x64xbf16>, vector<256x64xf32> -> vector<256x64xf32>
    %mul3A = arith.mulf %get3A_5, %get3A_5 : vector<256x128xf32>
    %reduce_sum3A = arith.constant dense<0.000000e+00> : vector<256xf32>
    %reduce_sum3A_14 = vector.multi_reduction <add>, %mul3A, %reduce_sum3A [1] : vector<256x128xf32> to vector<256xf32>
    %broadcast_in_dim3A = vector.shape_cast %reduce_sum3A_14 : vector<256xf32> to vector<256x1xf32>
    %mul3A_15 = arith.mulf %get3A_10, %get3A_10 : vector<128x64xf32>
    %reduce_sum3A_16 = arith.constant dense<0.000000e+00> : vector<64xf32>
    %reduce_sum3A_17 = vector.multi_reduction <add>, %mul3A_15, %reduce_sum3A_16 [0] : vector<128x64xf32> to vector<64xf32>
    %broadcast_in_dim3A_18 = vector.shape_cast %reduce_sum3A_17 : vector<64xf32> to vector<1x64xf32>
    %mul3A_19 = arith.constant 2.000000e+00 : f32
    %mul3A_20 = vector.broadcast %mul3A_19 : f32 to vector<256x64xf32>
    %mul3A_21 = arith.mulf %mul3A_20, %dot_general3A_13 : vector<256x64xf32>
    %sub3A = vector.broadcast %broadcast_in_dim3A : vector<256x1xf32> to vector<256x64xf32>
    %sub3A_22 = arith.subf %sub3A, %mul3A_21 : vector<256x64xf32>
    %add3A = vector.broadcast %broadcast_in_dim3A_18 : vector<1x64xf32> to vector<256x64xf32>
    %add3A_23 = arith.addf %sub3A_22, %add3A : vector<256x64xf32>
    %neg3A = arith.constant 0.000000e+00 : f32
    %neg3A_24 = vector.broadcast %neg3A : f32 to vector<256x64xf32>
    %neg3A_25 = arith.subf %neg3A_24, %add3A_23 : vector<256x64xf32>
    %broadcast_in_dim3A_26 = vector.shape_cast %neg3A_25 : vector<256x64xf32> to vector<256x1x64xf32>
    %broadcast_in_dim3A_27 = vector.shape_cast %neg3A_25 : vector<256x64xf32> to vector<256x64x1xf32>
    %iota3A = tpu.iota {dimensions = array<i32: 0>} : vector<64x64xi32>
    %iota3A_28 = tpu.iota {dimensions = array<i32: 1>} : vector<64x64xi32>
    %lt3A = arith.cmpi slt, %iota3A, %iota3A_28 : vector<64x64xi32>
    %broadcast_in_dim3A_29 = vector.shape_cast %lt3A : vector<64x64xi1> to vector<1x64x64xi1>
    %gt3A = vector.broadcast %broadcast_in_dim3A_27 : vector<256x64x1xf32> to vector<256x64x64xf32>
    %gt3A_30 = vector.broadcast %broadcast_in_dim3A_26 : vector<256x1x64xf32> to vector<256x64x64xf32>
    %gt3A_31 = arith.cmpf ogt, %gt3A, %gt3A_30 : vector<256x64x64xf32>
    %eq3A_32 = vector.broadcast %broadcast_in_dim3A_27 : vector<256x64x1xf32> to vector<256x64x64xf32>
    %eq3A_33 = vector.broadcast %broadcast_in_dim3A_26 : vector<256x1x64xf32> to vector<256x64x64xf32>
    %eq3A_34 = arith.cmpf oeq, %eq3A_32, %eq3A_33 : vector<256x64x64xf32>
    %and3A = vector.broadcast %broadcast_in_dim3A_29 : vector<1x64x64xi1> to vector<256x64x64xi1>
    %and3A_35 = arith.andi %eq3A_34, %and3A : vector<256x64x64xi1>
    %or3A = arith.ori %gt3A_31, %and3A_35 : vector<256x64x64xi1>
    %convert_element_type3A_36 = arith.extui %or3A : vector<256x64x64xi1> to vector<256x64x64xi32>
    %reduce_sum3A_37 = arith.constant dense<0> : vector<256x64xi32>
    %reduce_sum3A_38 = vector.multi_reduction <add>, %convert_element_type3A_36, %reduce_sum3A_37 [1] : vector<256x64x64xi32> to vector<256x64xi32>
    %concatenate3A = tpu.concatenate %reduce_sum3A_38, %reduce_sum3A_38, %reduce_sum3A_38, %reduce_sum3A_38, %reduce_sum3A_38, %reduce_sum3A_38, %reduce_sum3A_38, %reduce_sum3A_38, %reduce_sum3A_38 in 1 : vector<256x64xi32>, vector<256x64xi32>, vector<256x64xi32>, vector<256x64xi32>, vector<256x64xi32>, vector<256x64xi32>, vector<256x64xi32>, vector<256x64xi32>, vector<256x64xi32> -> vector<256x576xi32>
    %iota3A_39 = tpu.iota {dimensions = array<i32: 1>} : vector<256x576xi32>
    %jit3A = arith.constant 64 : i32
    %div3A = vector.broadcast %jit3A : i32 to vector<256x576xi32>
    %div3A_40 = arith.divsi %iota3A_39, %div3A : vector<256x576xi32>
    %sign3A = arith.constant 0 : i32
    %sign3A_41 = vector.broadcast %sign3A : i32 to vector<256x576xi32>
    %sign3A_42 = arith.cmpi sgt, %iota3A_39, %sign3A_41 : vector<256x576xi32>
    %sign3A_43 = arith.extui %sign3A_42 : vector<256x576xi1> to vector<256x576xi32>
    %sign3A_44 = arith.constant 0 : i32
    %sign3A_45 = vector.broadcast %sign3A_44 : i32 to vector<256x576xi32>
    %sign3A_46 = arith.cmpi slt, %iota3A_39, %sign3A_45 : vector<256x576xi32>
    %sign3A_47 = arith.extui %sign3A_46 : vector<256x576xi1> to vector<256x576xi32>
    %sign3A_48 = arith.subi %sign3A_43, %sign3A_47 : vector<256x576xi32>
    %sign3A_49 = arith.constant 0 : i32
    %sign3A_50 = arith.cmpi sgt, %jit3A, %sign3A_49 : i32
    %sign3A_51 = arith.extui %sign3A_50 : i1 to i32
    %sign3A_52 = arith.constant 0 : i32
    %sign3A_53 = arith.cmpi slt, %jit3A, %sign3A_52 : i32
    %sign3A_54 = arith.extui %sign3A_53 : i1 to i32
    %sign3A_55 = arith.subi %sign3A_51, %sign3A_54 : i32
    %ne3A = vector.broadcast %sign3A_55 : i32 to vector<256x576xi32>
    %ne3A_56 = arith.cmpi ne, %sign3A_48, %ne3A : vector<256x576xi32>
    %rem3A = vector.broadcast %jit3A : i32 to vector<256x576xi32>
    %rem3A_57 = arith.remsi %iota3A_39, %rem3A : vector<256x576xi32>
    %ne3A_58 = arith.constant 0 : i32
    %ne3A_59 = vector.broadcast %ne3A_58 : i32 to vector<256x576xi32>
    %ne3A_60 = arith.cmpi ne, %rem3A_57, %ne3A_59 : vector<256x576xi32>
    %and3A_61 = arith.andi %ne3A_56, %ne3A_60 : vector<256x576xi1>
    %sub3A_62 = arith.constant 1 : i32
    %sub3A_63 = vector.broadcast %sub3A_62 : i32 to vector<256x576xi32>
    %sub3A_64 = arith.subi %div3A_40, %sub3A_63 : vector<256x576xi32>
    %select_n3A = arith.select %and3A_61, %sub3A_64, %div3A_40 : vector<256x576xi1>, vector<256x576xi32>
    %eq3A_65 = arith.cmpi eq, %concatenate3A, %select_n3A : vector<256x576xi32>
    %convert_element_type3A_66 = arith.extui %eq3A_65 : vector<256x576xi1> to vector<256x576xi32>
    %convert_element_type3A_67 = arith.sitofp %convert_element_type3A_66 : vector<256x576xi32> to vector<256x576xf32>
    %get3A_68 = arith.constant 0 : index
    %get3A_69 = arith.constant 0 : index
    %get3A_70 = vector.load %arg9[%get3A_68, %get3A_69] : memref<576x128xf32, #tpu.memory_space<vmem>>, vector<576x128xf32>
    %dot_general3A_71 = arith.constant dense<0.000000e+00> : vector<256x128xf32>
    %dot_general3A_72 = tpu.matmul %convert_element_type3A_67, %get3A_70, %dot_general3A_71 {dimension_numbers = #tpu.dot_dimension_numbers<[1], [0], [0], [1], [0, 0, 1, 1], [], []>, precision = #tpu.contract_precision<fp32>, transpose_lhs_hint = false} : vector<256x576xf32>, vector<576x128xf32>, vector<256x128xf32> -> vector<256x128xf32>
    %get3A_73 = arith.constant 0 : index
    %get3A_74 = arith.constant 0 : index
    %get3A_75 = vector.load %arg6[%get3A_73, %get3A_74] : memref<1x128xf32, #tpu.memory_space<vmem>>, vector<1x128xf32>
    %add3A_76 = vector.broadcast %get3A_75 : vector<1x128xf32> to vector<256x128xf32>
    %add3A_77 = arith.addf %dot_general3A_72, %add3A_76 : vector<256x128xf32>
    %max3A = arith.constant 0.000000e+00 : f32
    %max3A_78 = vector.broadcast %max3A : f32 to vector<256x128xf32>
    %max3A_79 = arith.maximumf %add3A_77, %max3A_78 : vector<256x128xf32>
    %swap3A = arith.constant 0 : index
    %swap3A_80 = arith.constant 0 : index
    %swap3A_81 = arith.constant 0 : index
    %swap3A_82 = vector.load %arg8[%swap3A, %swap3A_80, %swap3A_81] : memref<1x256x128xf32, #tpu.memory_space<vmem>>, vector<1x256x128xf32>
    %swap3A_83 = vector.shape_cast %swap3A_82 : vector<1x256x128xf32> to vector<256x128xf32>
    %swap3A_84 = vector.shape_cast %max3A_79 : vector<256x128xf32> to vector<1x256x128xf32>
    tpu.vector_store %arg8[%swap3A, %swap3A_80, %swap3A_81], %swap3A_84 {strides = array<i32>} : memref<1x256x128xf32, #tpu.memory_space<vmem>>, vector<1x256x128xf32>,
    return
  }
  func.func @transform_0(%arg0: i32, %arg1: i32) -> (i32, i32, i32) {
    %c0_i32 = arith.constant 0 : i32
    %c0_i32_0 = arith.constant 0 : i32
    return %arg0, %arg1, %c0_i32 : i32, i32, i32
  }
  func.func @transform_1(%arg0: i32, %arg1: i32) -> (i32, i32, i32) {
    %c0_i32 = arith.constant 0 : i32
    %c0_i32_0 = arith.constant 0 : i32
    %c0_i32_1 = arith.constant 0 : i32
    return %arg0, %c0_i32, %c0_i32_0 : i32, i32, i32
  }
  func.func @transform_2(%arg0: i32, %arg1: i32) -> (i32, i32, i32) {
    %c0_i32 = arith.constant 0 : i32
    %c0_i32_0 = arith.constant 0 : i32
    %c0_i32_1 = arith.constant 0 : i32
    return %arg0, %c0_i32, %c0_i32_0 : i32, i32, i32
  }
  func.func @transform_3(%arg0: i32, %arg1: i32) -> (i32, i32, i32) {
    %c0_i32 = arith.constant 0 : i32
    %c0_i32_0 = arith.constant 0 : i32
    %c0_i32_1 = arith.constant 0 : i32
    %c0_i32_2 = arith.constant 0 : i32
    return %c0_i32, %c0_i32_0, %c0_i32_1 : i32, i32, i32
  }
  func.func @transform_4(%arg0: i32, %arg1: i32) -> (i32, i32) {
    %c0_i32 = arith.constant 0 : i32
    %c0_i32_0 = arith.constant 0 : i32
    %c0_i32_1 = arith.constant 0 : i32
    return %c0_i32, %c0_i32_0 : i32, i32
  }
  func.func @transform_5(%arg0: i32, %arg1: i32) -> (i32, i32) {
    %c0_i32 = arith.constant 0 : i32
    %c0_i32_0 = arith.constant 0 : i32
    %c0_i32_1 = arith.constant 0 : i32
    return %c0_i32, %c0_i32_0 : i32, i32
  }
  func.func @transform_6(%arg0: i32, %arg1: i32) -> (i32, i32, i32) {
    %c0_i32 = arith.constant 0 : i32
    %c0_i32_0 = arith.constant 0 : i32
    return %arg0, %arg1, %c0_i32 : i32, i32, i32
  }
}

module attributes {stable_mosaic.version = 14 : i64} {
  func.func @_layer_body(%arg0: i32, %arg1: i32, %arg2: memref<1x256x128xf32, #tpu.memory_space<vmem>>, %arg3: memref<1x64x128xf32, #tpu.memory_space<vmem>>, %arg4: memref<1x128x64xf32, #tpu.memory_space<vmem>>, %arg5: memref<9x128x128xf32, #tpu.memory_space<vmem>>, %arg6: memref<1x128xf32, #tpu.memory_space<vmem>>, %arg7: memref<64x64xi32, #tpu.memory_space<vmem>>, %arg8: memref<1x256x128xf32, #tpu.memory_space<vmem>>, %arg9: memref<576x128xf32, #tpu.memory_space<vmem>>) attributes {dimension_semantics = [#tpu.dimension_semantics<arbitrary>, #tpu.dimension_semantics<arbitrary>], iteration_bounds = array<i64: 2, 144>, scalar_prefetch = 0 : i64, scratch_operands = 1 : i64, tpu.core_type = #tpu.core_type<tc>, window_params = [{transform_indices = @transform_0, window_bounds = array<i64: 1, 256, 128>}, {transform_indices = @transform_1, window_bounds = array<i64: 1, 64, 128>}, {transform_indices = @transform_2, window_bounds = array<i64: 1, 128, 64>}, {pipeline_mode = #tpu.pipeline_mode<synchronous>, transform_indices = @transform_3, window_bounds = array<i64: 9, 128, 128>}, {pipeline_mode = #tpu.pipeline_mode<synchronous>, transform_indices = @transform_4, window_bounds = array<i64: 1, 128>}, {pipeline_mode = #tpu.pipeline_mode<synchronous>, transform_indices = @transform_5, window_bounds = array<i64: 64, 64>}, {transform_indices = @transform_6, window_bounds = array<i64: 1, 256, 128>}]} {
    %eq3A = arith.constant 0 : i32
    %eq3A_0 = arith.cmpi eq, %arg1, %eq3A : i32
    %convert_element_type3A = arith.extui %eq3A_0 : i1 to i32
    %cond3A = arith.constant 0 : i32
    %cond3A_1 = arith.cmpi ne, %convert_element_type3A, %cond3A : i32
    scf.if %cond3A_1 {
      %get3A_83 = arith.constant 0 : index
      %get3A_84 = arith.constant 0 : index
      %get3A_85 = arith.constant 0 : index
      %get3A_86 = vector.load %arg3[%get3A_83, %get3A_84, %get3A_85] : memref<1x64x128xf32, #tpu.memory_space<vmem>>, vector<1x64x128xf32>
      %get3A_87 = vector.shape_cast %get3A_86 : vector<1x64x128xf32> to vector<64x128xf32>
      %convert_element_type3A_88 = arith.truncf %get3A_87 : vector<64x128xf32> to vector<64x128xbf16>
      %get3A_89 = arith.constant 0 : index
      %get3A_90 = arith.constant 0 : index
      %get3A_91 = arith.constant 0 : index
      %get3A_92 = vector.load %arg5[%get3A_89, %get3A_90, %get3A_91] : memref<9x128x128xf32, #tpu.memory_space<vmem>>, vector<1x128x128xf32>
      %get3A_93 = vector.shape_cast %get3A_92 : vector<1x128x128xf32> to vector<128x128xf32>
      %convert_element_type3A_94 = arith.truncf %get3A_93 : vector<128x128xf32> to vector<128x128xbf16>
      %dot_general3A_95 = arith.constant dense<0.000000e+00> : vector<64x128xf32>
      %dot_general3A_96 = tpu.matmul %convert_element_type3A_88, %convert_element_type3A_94, %dot_general3A_95 {dimension_numbers = #tpu.dot_dimension_numbers<[1], [0], [0], [1], [0, 0, 1, 1], [], []>, transpose_lhs_hint = false} : vector<64x128xbf16>, vector<128x128xbf16>, vector<64x128xf32> -> vector<64x128xf32>
      %swap3A_97 = arith.constant 0 : index
      %swap3A_98 = arith.constant 0 : index
      %swap3A_99 = vector.load %arg9[%swap3A_97, %swap3A_98] : memref<576x128xf32, #tpu.memory_space<vmem>>, vector<64x128xf32>
      tpu.vector_store %arg9[%swap3A_97, %swap3A_98], %dot_general3A_96 {strides = array<i32>} : memref<576x128xf32, #tpu.memory_space<vmem>>, vector<64x128xf32>,
      %get3A_100 = arith.constant 0 : index
      %get3A_101 = arith.constant 0 : index
      %get3A_102 = arith.constant 0 : index
      %get3A_103 = vector.load %arg3[%get3A_100, %get3A_101, %get3A_102] : memref<1x64x128xf32, #tpu.memory_space<vmem>>, vector<1x64x128xf32>
      %get3A_104 = vector.shape_cast %get3A_103 : vector<1x64x128xf32> to vector<64x128xf32>
      %convert_element_type3A_105 = arith.truncf %get3A_104 : vector<64x128xf32> to vector<64x128xbf16>
      %get3A_106 = arith.constant 1 : index
      %get3A_107 = arith.constant 0 : index
      %get3A_108 = arith.constant 0 : index
      %get3A_109 = vector.load %arg5[%get3A_106, %get3A_107, %get3A_108] : memref<9x128x128xf32, #tpu.memory_space<vmem>>, vector<1x128x128xf32>
      %get3A_110 = vector.shape_cast %get3A_109 : vector<1x128x128xf32> to vector<128x128xf32>
      %convert_element_type3A_111 = arith.truncf %get3A_110 : vector<128x128xf32> to vector<128x128xbf16>
      %dot_general3A_112 = arith.constant dense<0.000000e+00> : vector<64x128xf32>
      %dot_general3A_113 = tpu.matmul %convert_element_type3A_105, %convert_element_type3A_111, %dot_general3A_112 {dimension_numbers = #tpu.dot_dimension_numbers<[1], [0], [0], [1], [0, 0, 1, 1], [], []>, transpose_lhs_hint = false} : vector<64x128xbf16>, vector<128x128xbf16>, vector<64x128xf32> -> vector<64x128xf32>
      %swap3A_114 = arith.constant 64 : index
      %swap3A_115 = arith.constant 0 : index
      %swap3A_116 = vector.load %arg9[%swap3A_114, %swap3A_115] : memref<576x128xf32, #tpu.memory_space<vmem>>, vector<64x128xf32>
      tpu.vector_store %arg9[%swap3A_114, %swap3A_115], %dot_general3A_113 {strides = array<i32>} : memref<576x128xf32, #tpu.memory_space<vmem>>, vector<64x128xf32>,
      %get3A_117 = arith.constant 0 : index
      %get3A_118 = arith.constant 0 : index
      %get3A_119 = arith.constant 0 : index
      %get3A_120 = vector.load %arg3[%get3A_117, %get3A_118, %get3A_119] : memref<1x64x128xf32, #tpu.memory_space<vmem>>, vector<1x64x128xf32>
      %get3A_121 = vector.shape_cast %get3A_120 : vector<1x64x128xf32> to vector<64x128xf32>
      %convert_element_type3A_122 = arith.truncf %get3A_121 : vector<64x128xf32> to vector<64x128xbf16>
      %get3A_123 = arith.constant 2 : index
      %get3A_124 = arith.constant 0 : index
      %get3A_125 = arith.constant 0 : index
      %get3A_126 = vector.load %arg5[%get3A_123, %get3A_124, %get3A_125] : memref<9x128x128xf32, #tpu.memory_space<vmem>>, vector<1x128x128xf32>
      %get3A_127 = vector.shape_cast %get3A_126 : vector<1x128x128xf32> to vector<128x128xf32>
      %convert_element_type3A_128 = arith.truncf %get3A_127 : vector<128x128xf32> to vector<128x128xbf16>
      %dot_general3A_129 = arith.constant dense<0.000000e+00> : vector<64x128xf32>
      %dot_general3A_130 = tpu.matmul %convert_element_type3A_122, %convert_element_type3A_128, %dot_general3A_129 {dimension_numbers = #tpu.dot_dimension_numbers<[1], [0], [0], [1], [0, 0, 1, 1], [], []>, transpose_lhs_hint = false} : vector<64x128xbf16>, vector<128x128xbf16>, vector<64x128xf32> -> vector<64x128xf32>
      %swap3A_131 = arith.constant 128 : index
      %swap3A_132 = arith.constant 0 : index
      %swap3A_133 = vector.load %arg9[%swap3A_131, %swap3A_132] : memref<576x128xf32, #tpu.memory_space<vmem>>, vector<64x128xf32>
      tpu.vector_store %arg9[%swap3A_131, %swap3A_132], %dot_general3A_130 {strides = array<i32>} : memref<576x128xf32, #tpu.memory_space<vmem>>, vector<64x128xf32>,
      %get3A_134 = arith.constant 0 : index
      %get3A_135 = arith.constant 0 : index
      %get3A_136 = arith.constant 0 : index
      %get3A_137 = vector.load %arg3[%get3A_134, %get3A_135, %get3A_136] : memref<1x64x128xf32, #tpu.memory_space<vmem>>, vector<1x64x128xf32>
      %get3A_138 = vector.shape_cast %get3A_137 : vector<1x64x128xf32> to vector<64x128xf32>
      %convert_element_type3A_139 = arith.truncf %get3A_138 : vector<64x128xf32> to vector<64x128xbf16>
      %get3A_140 = arith.constant 3 : index
      %get3A_141 = arith.constant 0 : index
      %get3A_142 = arith.constant 0 : index
      %get3A_143 = vector.load %arg5[%get3A_140, %get3A_141, %get3A_142] : memref<9x128x128xf32, #tpu.memory_space<vmem>>, vector<1x128x128xf32>
      %get3A_144 = vector.shape_cast %get3A_143 : vector<1x128x128xf32> to vector<128x128xf32>
      %convert_element_type3A_145 = arith.truncf %get3A_144 : vector<128x128xf32> to vector<128x128xbf16>
      %dot_general3A_146 = arith.constant dense<0.000000e+00> : vector<64x128xf32>
      %dot_general3A_147 = tpu.matmul %convert_element_type3A_139, %convert_element_type3A_145, %dot_general3A_146 {dimension_numbers = #tpu.dot_dimension_numbers<[1], [0], [0], [1], [0, 0, 1, 1], [], []>, transpose_lhs_hint = false} : vector<64x128xbf16>, vector<128x128xbf16>, vector<64x128xf32> -> vector<64x128xf32>
      %swap3A_148 = arith.constant 192 : index
      %swap3A_149 = arith.constant 0 : index
      %swap3A_150 = vector.load %arg9[%swap3A_148, %swap3A_149] : memref<576x128xf32, #tpu.memory_space<vmem>>, vector<64x128xf32>
      tpu.vector_store %arg9[%swap3A_148, %swap3A_149], %dot_general3A_147 {strides = array<i32>} : memref<576x128xf32, #tpu.memory_space<vmem>>, vector<64x128xf32>,
      %get3A_151 = arith.constant 0 : index
      %get3A_152 = arith.constant 0 : index
      %get3A_153 = arith.constant 0 : index
      %get3A_154 = vector.load %arg3[%get3A_151, %get3A_152, %get3A_153] : memref<1x64x128xf32, #tpu.memory_space<vmem>>, vector<1x64x128xf32>
      %get3A_155 = vector.shape_cast %get3A_154 : vector<1x64x128xf32> to vector<64x128xf32>
      %convert_element_type3A_156 = arith.truncf %get3A_155 : vector<64x128xf32> to vector<64x128xbf16>
      %get3A_157 = arith.constant 4 : index
      %get3A_158 = arith.constant 0 : index
      %get3A_159 = arith.constant 0 : index
      %get3A_160 = vector.load %arg5[%get3A_157, %get3A_158, %get3A_159] : memref<9x128x128xf32, #tpu.memory_space<vmem>>, vector<1x128x128xf32>
      %get3A_161 = vector.shape_cast %get3A_160 : vector<1x128x128xf32> to vector<128x128xf32>
      %convert_element_type3A_162 = arith.truncf %get3A_161 : vector<128x128xf32> to vector<128x128xbf16>
      %dot_general3A_163 = arith.constant dense<0.000000e+00> : vector<64x128xf32>
      %dot_general3A_164 = tpu.matmul %convert_element_type3A_156, %convert_element_type3A_162, %dot_general3A_163 {dimension_numbers = #tpu.dot_dimension_numbers<[1], [0], [0], [1], [0, 0, 1, 1], [], []>, transpose_lhs_hint = false} : vector<64x128xbf16>, vector<128x128xbf16>, vector<64x128xf32> -> vector<64x128xf32>
      %swap3A_165 = arith.constant 256 : index
      %swap3A_166 = arith.constant 0 : index
      %swap3A_167 = vector.load %arg9[%swap3A_165, %swap3A_166] : memref<576x128xf32, #tpu.memory_space<vmem>>, vector<64x128xf32>
      tpu.vector_store %arg9[%swap3A_165, %swap3A_166], %dot_general3A_164 {strides = array<i32>} : memref<576x128xf32, #tpu.memory_space<vmem>>, vector<64x128xf32>,
      %get3A_168 = arith.constant 0 : index
      %get3A_169 = arith.constant 0 : index
      %get3A_170 = arith.constant 0 : index
      %get3A_171 = vector.load %arg3[%get3A_168, %get3A_169, %get3A_170] : memref<1x64x128xf32, #tpu.memory_space<vmem>>, vector<1x64x128xf32>
      %get3A_172 = vector.shape_cast %get3A_171 : vector<1x64x128xf32> to vector<64x128xf32>
      %convert_element_type3A_173 = arith.truncf %get3A_172 : vector<64x128xf32> to vector<64x128xbf16>
      %get3A_174 = arith.constant 5 : index
      %get3A_175 = arith.constant 0 : index
      %get3A_176 = arith.constant 0 : index
      %get3A_177 = vector.load %arg5[%get3A_174, %get3A_175, %get3A_176] : memref<9x128x128xf32, #tpu.memory_space<vmem>>, vector<1x128x128xf32>
      %get3A_178 = vector.shape_cast %get3A_177 : vector<1x128x128xf32> to vector<128x128xf32>
      %convert_element_type3A_179 = arith.truncf %get3A_178 : vector<128x128xf32> to vector<128x128xbf16>
      %dot_general3A_180 = arith.constant dense<0.000000e+00> : vector<64x128xf32>
      %dot_general3A_181 = tpu.matmul %convert_element_type3A_173, %convert_element_type3A_179, %dot_general3A_180 {dimension_numbers = #tpu.dot_dimension_numbers<[1], [0], [0], [1], [0, 0, 1, 1], [], []>, transpose_lhs_hint = false} : vector<64x128xbf16>, vector<128x128xbf16>, vector<64x128xf32> -> vector<64x128xf32>
      %swap3A_182 = arith.constant 320 : index
      %swap3A_183 = arith.constant 0 : index
      %swap3A_184 = vector.load %arg9[%swap3A_182, %swap3A_183] : memref<576x128xf32, #tpu.memory_space<vmem>>, vector<64x128xf32>
      tpu.vector_store %arg9[%swap3A_182, %swap3A_183], %dot_general3A_181 {strides = array<i32>} : memref<576x128xf32, #tpu.memory_space<vmem>>, vector<64x128xf32>,
      %get3A_185 = arith.constant 0 : index
      %get3A_186 = arith.constant 0 : index
      %get3A_187 = arith.constant 0 : index
      %get3A_188 = vector.load %arg3[%get3A_185, %get3A_186, %get3A_187] : memref<1x64x128xf32, #tpu.memory_space<vmem>>, vector<1x64x128xf32>
      %get3A_189 = vector.shape_cast %get3A_188 : vector<1x64x128xf32> to vector<64x128xf32>
      %convert_element_type3A_190 = arith.truncf %get3A_189 : vector<64x128xf32> to vector<64x128xbf16>
      %get3A_191 = arith.constant 6 : index
      %get3A_192 = arith.constant 0 : index
      %get3A_193 = arith.constant 0 : index
      %get3A_194 = vector.load %arg5[%get3A_191, %get3A_192, %get3A_193] : memref<9x128x128xf32, #tpu.memory_space<vmem>>, vector<1x128x128xf32>
      %get3A_195 = vector.shape_cast %get3A_194 : vector<1x128x128xf32> to vector<128x128xf32>
      %convert_element_type3A_196 = arith.truncf %get3A_195 : vector<128x128xf32> to vector<128x128xbf16>
      %dot_general3A_197 = arith.constant dense<0.000000e+00> : vector<64x128xf32>
      %dot_general3A_198 = tpu.matmul %convert_element_type3A_190, %convert_element_type3A_196, %dot_general3A_197 {dimension_numbers = #tpu.dot_dimension_numbers<[1], [0], [0], [1], [0, 0, 1, 1], [], []>, transpose_lhs_hint = false} : vector<64x128xbf16>, vector<128x128xbf16>, vector<64x128xf32> -> vector<64x128xf32>
      %swap3A_199 = arith.constant 384 : index
      %swap3A_200 = arith.constant 0 : index
      %swap3A_201 = vector.load %arg9[%swap3A_199, %swap3A_200] : memref<576x128xf32, #tpu.memory_space<vmem>>, vector<64x128xf32>
      tpu.vector_store %arg9[%swap3A_199, %swap3A_200], %dot_general3A_198 {strides = array<i32>} : memref<576x128xf32, #tpu.memory_space<vmem>>, vector<64x128xf32>,
      %get3A_202 = arith.constant 0 : index
      %get3A_203 = arith.constant 0 : index
      %get3A_204 = arith.constant 0 : index
      %get3A_205 = vector.load %arg3[%get3A_202, %get3A_203, %get3A_204] : memref<1x64x128xf32, #tpu.memory_space<vmem>>, vector<1x64x128xf32>
      %get3A_206 = vector.shape_cast %get3A_205 : vector<1x64x128xf32> to vector<64x128xf32>
      %convert_element_type3A_207 = arith.truncf %get3A_206 : vector<64x128xf32> to vector<64x128xbf16>
      %get3A_208 = arith.constant 7 : index
      %get3A_209 = arith.constant 0 : index
      %get3A_210 = arith.constant 0 : index
      %get3A_211 = vector.load %arg5[%get3A_208, %get3A_209, %get3A_210] : memref<9x128x128xf32, #tpu.memory_space<vmem>>, vector<1x128x128xf32>
      %get3A_212 = vector.shape_cast %get3A_211 : vector<1x128x128xf32> to vector<128x128xf32>
      %convert_element_type3A_213 = arith.truncf %get3A_212 : vector<128x128xf32> to vector<128x128xbf16>
      %dot_general3A_214 = arith.constant dense<0.000000e+00> : vector<64x128xf32>
      %dot_general3A_215 = tpu.matmul %convert_element_type3A_207, %convert_element_type3A_213, %dot_general3A_214 {dimension_numbers = #tpu.dot_dimension_numbers<[1], [0], [0], [1], [0, 0, 1, 1], [], []>, transpose_lhs_hint = false} : vector<64x128xbf16>, vector<128x128xbf16>, vector<64x128xf32> -> vector<64x128xf32>
      %swap3A_216 = arith.constant 448 : index
      %swap3A_217 = arith.constant 0 : index
      %swap3A_218 = vector.load %arg9[%swap3A_216, %swap3A_217] : memref<576x128xf32, #tpu.memory_space<vmem>>, vector<64x128xf32>
      tpu.vector_store %arg9[%swap3A_216, %swap3A_217], %dot_general3A_215 {strides = array<i32>} : memref<576x128xf32, #tpu.memory_space<vmem>>, vector<64x128xf32>,
      %get3A_219 = arith.constant 0 : index
      %get3A_220 = arith.constant 0 : index
      %get3A_221 = arith.constant 0 : index
      %get3A_222 = vector.load %arg3[%get3A_219, %get3A_220, %get3A_221] : memref<1x64x128xf32, #tpu.memory_space<vmem>>, vector<1x64x128xf32>
      %get3A_223 = vector.shape_cast %get3A_222 : vector<1x64x128xf32> to vector<64x128xf32>
      %convert_element_type3A_224 = arith.truncf %get3A_223 : vector<64x128xf32> to vector<64x128xbf16>
      %get3A_225 = arith.constant 8 : index
      %get3A_226 = arith.constant 0 : index
      %get3A_227 = arith.constant 0 : index
      %get3A_228 = vector.load %arg5[%get3A_225, %get3A_226, %get3A_227] : memref<9x128x128xf32, #tpu.memory_space<vmem>>, vector<1x128x128xf32>
      %get3A_229 = vector.shape_cast %get3A_228 : vector<1x128x128xf32> to vector<128x128xf32>
      %convert_element_type3A_230 = arith.truncf %get3A_229 : vector<128x128xf32> to vector<128x128xbf16>
      %dot_general3A_231 = arith.constant dense<0.000000e+00> : vector<64x128xf32>
      %dot_general3A_232 = tpu.matmul %convert_element_type3A_224, %convert_element_type3A_230, %dot_general3A_231 {dimension_numbers = #tpu.dot_dimension_numbers<[1], [0], [0], [1], [0, 0, 1, 1], [], []>, transpose_lhs_hint = false} : vector<64x128xbf16>, vector<128x128xbf16>, vector<64x128xf32> -> vector<64x128xf32>
      %swap3A_233 = arith.constant 512 : index
      %swap3A_234 = arith.constant 0 : index
      %swap3A_235 = vector.load %arg9[%swap3A_233, %swap3A_234] : memref<576x128xf32, #tpu.memory_space<vmem>>, vector<64x128xf32>
      tpu.vector_store %arg9[%swap3A_233, %swap3A_234], %dot_general3A_232 {strides = array<i32>} : memref<576x128xf32, #tpu.memory_space<vmem>>, vector<64x128xf32>,
    } else {
    }
    %get3A = arith.constant 0 : index
    %get3A_2 = arith.constant 0 : index
    %get3A_3 = arith.constant 0 : index
    %get3A_4 = vector.load %arg2[%get3A, %get3A_2, %get3A_3] : memref<1x256x128xf32, #tpu.memory_space<vmem>>, vector<1x256x128xf32>
    %get3A_5 = vector.shape_cast %get3A_4 : vector<1x256x128xf32> to vector<256x128xf32>
    %get3A_6 = arith.constant 0 : index
    %get3A_7 = arith.constant 0 : index
    %get3A_8 = arith.constant 0 : index
    %get3A_9 = vector.load %arg4[%get3A_6, %get3A_7, %get3A_8] : memref<1x128x64xf32, #tpu.memory_space<vmem>>, vector<1x128x64xf32>
    %get3A_10 = vector.shape_cast %get3A_9 : vector<1x128x64xf32> to vector<128x64xf32>
    %convert_element_type3A_11 = arith.truncf %get3A_5 : vector<256x128xf32> to vector<256x128xbf16>
    %convert_element_type3A_12 = arith.truncf %get3A_10 : vector<128x64xf32> to vector<128x64xbf16>
    %dot_general3A = arith.constant dense<0.000000e+00> : vector<256x64xf32>
    %dot_general3A_13 = tpu.matmul %convert_element_type3A_11, %convert_element_type3A_12, %dot_general3A {dimension_numbers = #tpu.dot_dimension_numbers<[1], [0], [0], [1], [0, 0, 1, 1], [], []>, transpose_lhs_hint = false} : vector<256x128xbf16>, vector<128x64xbf16>, vector<256x64xf32> -> vector<256x64xf32>
    %mul3A = arith.mulf %get3A_5, %get3A_5 : vector<256x128xf32>
    %reduce_sum3A = arith.constant dense<0.000000e+00> : vector<256xf32>
    %reduce_sum3A_14 = vector.multi_reduction <add>, %mul3A, %reduce_sum3A [1] : vector<256x128xf32> to vector<256xf32>
    %broadcast_in_dim3A = vector.shape_cast %reduce_sum3A_14 : vector<256xf32> to vector<256x1xf32>
    %mul3A_15 = arith.mulf %get3A_10, %get3A_10 : vector<128x64xf32>
    %reduce_sum3A_16 = arith.constant dense<0.000000e+00> : vector<64xf32>
    %reduce_sum3A_17 = vector.multi_reduction <add>, %mul3A_15, %reduce_sum3A_16 [0] : vector<128x64xf32> to vector<64xf32>
    %broadcast_in_dim3A_18 = vector.shape_cast %reduce_sum3A_17 : vector<64xf32> to vector<1x64xf32>
    %mul3A_19 = arith.constant 2.000000e+00 : f32
    %mul3A_20 = vector.broadcast %mul3A_19 : f32 to vector<256x64xf32>
    %mul3A_21 = arith.mulf %mul3A_20, %dot_general3A_13 : vector<256x64xf32>
    %sub3A = vector.broadcast %broadcast_in_dim3A : vector<256x1xf32> to vector<256x64xf32>
    %sub3A_22 = arith.subf %sub3A, %mul3A_21 : vector<256x64xf32>
    %add3A = vector.broadcast %broadcast_in_dim3A_18 : vector<1x64xf32> to vector<256x64xf32>
    %add3A_23 = arith.addf %sub3A_22, %add3A : vector<256x64xf32>
    %neg3A = arith.constant 0.000000e+00 : f32
    %neg3A_24 = vector.broadcast %neg3A : f32 to vector<256x64xf32>
    %neg3A_25 = arith.subf %neg3A_24, %add3A_23 : vector<256x64xf32>
    %broadcast_in_dim3A_26 = vector.shape_cast %neg3A_25 : vector<256x64xf32> to vector<256x1x64xf32>
    %broadcast_in_dim3A_27 = vector.shape_cast %neg3A_25 : vector<256x64xf32> to vector<256x64x1xf32>
    %iota3A = tpu.iota {dimensions = array<i32: 0>} : vector<64x64xi32>
    %iota3A_28 = tpu.iota {dimensions = array<i32: 1>} : vector<64x64xi32>
    %lt3A = arith.cmpi slt, %iota3A, %iota3A_28 : vector<64x64xi32>
    %broadcast_in_dim3A_29 = vector.shape_cast %lt3A : vector<64x64xi1> to vector<1x64x64xi1>
    %gt3A = vector.broadcast %broadcast_in_dim3A_27 : vector<256x64x1xf32> to vector<256x64x64xf32>
    %gt3A_30 = vector.broadcast %broadcast_in_dim3A_26 : vector<256x1x64xf32> to vector<256x64x64xf32>
    %gt3A_31 = arith.cmpf ogt, %gt3A, %gt3A_30 : vector<256x64x64xf32>
    %eq3A_32 = vector.broadcast %broadcast_in_dim3A_27 : vector<256x64x1xf32> to vector<256x64x64xf32>
    %eq3A_33 = vector.broadcast %broadcast_in_dim3A_26 : vector<256x1x64xf32> to vector<256x64x64xf32>
    %eq3A_34 = arith.cmpf oeq, %eq3A_32, %eq3A_33 : vector<256x64x64xf32>
    %and3A = vector.broadcast %broadcast_in_dim3A_29 : vector<1x64x64xi1> to vector<256x64x64xi1>
    %and3A_35 = arith.andi %eq3A_34, %and3A : vector<256x64x64xi1>
    %or3A = arith.ori %gt3A_31, %and3A_35 : vector<256x64x64xi1>
    %convert_element_type3A_36 = arith.extui %or3A : vector<256x64x64xi1> to vector<256x64x64xi32>
    %reduce_sum3A_37 = arith.constant dense<0> : vector<256x64xi32>
    %reduce_sum3A_38 = vector.multi_reduction <add>, %convert_element_type3A_36, %reduce_sum3A_37 [1] : vector<256x64x64xi32> to vector<256x64xi32>
    %concatenate3A = tpu.concatenate %reduce_sum3A_38, %reduce_sum3A_38, %reduce_sum3A_38, %reduce_sum3A_38, %reduce_sum3A_38, %reduce_sum3A_38, %reduce_sum3A_38, %reduce_sum3A_38, %reduce_sum3A_38 in 1 : vector<256x64xi32>, vector<256x64xi32>, vector<256x64xi32>, vector<256x64xi32>, vector<256x64xi32>, vector<256x64xi32>, vector<256x64xi32>, vector<256x64xi32>, vector<256x64xi32> -> vector<256x576xi32>
    %iota3A_39 = tpu.iota {dimensions = array<i32: 1>} : vector<256x576xi32>
    %jit3A = arith.constant 64 : i32
    %div3A = vector.broadcast %jit3A : i32 to vector<256x576xi32>
    %div3A_40 = arith.divsi %iota3A_39, %div3A : vector<256x576xi32>
    %sign3A = arith.constant 0 : i32
    %sign3A_41 = vector.broadcast %sign3A : i32 to vector<256x576xi32>
    %sign3A_42 = arith.cmpi sgt, %iota3A_39, %sign3A_41 : vector<256x576xi32>
    %sign3A_43 = arith.extui %sign3A_42 : vector<256x576xi1> to vector<256x576xi32>
    %sign3A_44 = arith.constant 0 : i32
    %sign3A_45 = vector.broadcast %sign3A_44 : i32 to vector<256x576xi32>
    %sign3A_46 = arith.cmpi slt, %iota3A_39, %sign3A_45 : vector<256x576xi32>
    %sign3A_47 = arith.extui %sign3A_46 : vector<256x576xi1> to vector<256x576xi32>
    %sign3A_48 = arith.subi %sign3A_43, %sign3A_47 : vector<256x576xi32>
    %sign3A_49 = arith.constant 0 : i32
    %sign3A_50 = arith.cmpi sgt, %jit3A, %sign3A_49 : i32
    %sign3A_51 = arith.extui %sign3A_50 : i1 to i32
    %sign3A_52 = arith.constant 0 : i32
    %sign3A_53 = arith.cmpi slt, %jit3A, %sign3A_52 : i32
    %sign3A_54 = arith.extui %sign3A_53 : i1 to i32
    %sign3A_55 = arith.subi %sign3A_51, %sign3A_54 : i32
    %ne3A = vector.broadcast %sign3A_55 : i32 to vector<256x576xi32>
    %ne3A_56 = arith.cmpi ne, %sign3A_48, %ne3A : vector<256x576xi32>
    %rem3A = vector.broadcast %jit3A : i32 to vector<256x576xi32>
    %rem3A_57 = arith.remsi %iota3A_39, %rem3A : vector<256x576xi32>
    %ne3A_58 = arith.constant 0 : i32
    %ne3A_59 = vector.broadcast %ne3A_58 : i32 to vector<256x576xi32>
    %ne3A_60 = arith.cmpi ne, %rem3A_57, %ne3A_59 : vector<256x576xi32>
    %and3A_61 = arith.andi %ne3A_56, %ne3A_60 : vector<256x576xi1>
    %sub3A_62 = arith.constant 1 : i32
    %sub3A_63 = vector.broadcast %sub3A_62 : i32 to vector<256x576xi32>
    %sub3A_64 = arith.subi %div3A_40, %sub3A_63 : vector<256x576xi32>
    %select_n3A = arith.select %and3A_61, %sub3A_64, %div3A_40 : vector<256x576xi1>, vector<256x576xi32>
    %eq3A_65 = arith.cmpi eq, %concatenate3A, %select_n3A : vector<256x576xi32>
    %convert_element_type3A_66 = arith.extui %eq3A_65 : vector<256x576xi1> to vector<256x576xi32>
    %convert_element_type3A_67 = arith.sitofp %convert_element_type3A_66 : vector<256x576xi32> to vector<256x576xf32>
    %get3A_68 = arith.constant 0 : index
    %get3A_69 = arith.constant 0 : index
    %get3A_70 = vector.load %arg9[%get3A_68, %get3A_69] : memref<576x128xf32, #tpu.memory_space<vmem>>, vector<576x128xf32>
    %dot_general3A_71 = arith.constant dense<0.000000e+00> : vector<256x128xf32>
    %dot_general3A_72 = tpu.matmul %convert_element_type3A_67, %get3A_70, %dot_general3A_71 {dimension_numbers = #tpu.dot_dimension_numbers<[1], [0], [0], [1], [0, 0, 1, 1], [], []>, precision = #tpu.contract_precision<fp32>, transpose_lhs_hint = false} : vector<256x576xf32>, vector<576x128xf32>, vector<256x128xf32> -> vector<256x128xf32>
    %get3A_73 = arith.constant 0 : index
    %get3A_74 = arith.constant 0 : index
    %get3A_75 = vector.load %arg6[%get3A_73, %get3A_74] : memref<1x128xf32, #tpu.memory_space<vmem>>, vector<1x128xf32>
    %add3A_76 = vector.broadcast %get3A_75 : vector<1x128xf32> to vector<256x128xf32>
    %add3A_77 = arith.addf %dot_general3A_72, %add3A_76 : vector<256x128xf32>
    %swap3A = arith.constant 0 : index
    %swap3A_78 = arith.constant 0 : index
    %swap3A_79 = arith.constant 0 : index
    %swap3A_80 = vector.load %arg8[%swap3A, %swap3A_78, %swap3A_79] : memref<1x256x128xf32, #tpu.memory_space<vmem>>, vector<1x256x128xf32>
    %swap3A_81 = vector.shape_cast %swap3A_80 : vector<1x256x128xf32> to vector<256x128xf32>
    %swap3A_82 = vector.shape_cast %add3A_77 : vector<256x128xf32> to vector<1x256x128xf32>
    tpu.vector_store %arg8[%swap3A, %swap3A_78, %swap3A_79], %swap3A_82 {strides = array<i32>} : memref<1x256x128xf32, #tpu.memory_space<vmem>>, vector<1x256x128xf32>,
    return
  }
  func.func @transform_0(%arg0: i32, %arg1: i32) -> (i32, i32, i32) {
    %c0_i32 = arith.constant 0 : i32
    %c0_i32_0 = arith.constant 0 : i32
    return %arg0, %arg1, %c0_i32 : i32, i32, i32
  }
  func.func @transform_1(%arg0: i32, %arg1: i32) -> (i32, i32, i32) {
    %c0_i32 = arith.constant 0 : i32
    %c0_i32_0 = arith.constant 0 : i32
    %c0_i32_1 = arith.constant 0 : i32
    return %arg0, %c0_i32, %c0_i32_0 : i32, i32, i32
  }
  func.func @transform_2(%arg0: i32, %arg1: i32) -> (i32, i32, i32) {
    %c0_i32 = arith.constant 0 : i32
    %c0_i32_0 = arith.constant 0 : i32
    %c0_i32_1 = arith.constant 0 : i32
    return %arg0, %c0_i32, %c0_i32_0 : i32, i32, i32
  }
  func.func @transform_3(%arg0: i32, %arg1: i32) -> (i32, i32, i32) {
    %c0_i32 = arith.constant 0 : i32
    %c0_i32_0 = arith.constant 0 : i32
    %c0_i32_1 = arith.constant 0 : i32
    %c0_i32_2 = arith.constant 0 : i32
    return %c0_i32, %c0_i32_0, %c0_i32_1 : i32, i32, i32
  }
  func.func @transform_4(%arg0: i32, %arg1: i32) -> (i32, i32) {
    %c0_i32 = arith.constant 0 : i32
    %c0_i32_0 = arith.constant 0 : i32
    %c0_i32_1 = arith.constant 0 : i32
    return %c0_i32, %c0_i32_0 : i32, i32
  }
  func.func @transform_5(%arg0: i32, %arg1: i32) -> (i32, i32) {
    %c0_i32 = arith.constant 0 : i32
    %c0_i32_0 = arith.constant 0 : i32
    %c0_i32_1 = arith.constant 0 : i32
    return %c0_i32, %c0_i32_0 : i32, i32
  }
  func.func @transform_6(%arg0: i32, %arg1: i32) -> (i32, i32, i32) {
    %c0_i32 = arith.constant 0 : i32
    %c0_i32_0 = arith.constant 0 : i32
    return %arg0, %arg1, %c0_i32 : i32, i32, i32
  }
}

</mosaic_0001>

<sc_bundles>
// kernel: sparse-core-data-format-call.cloned.1.call-start
scs
called_computation_lowered:
.L_overlay_start_0:
0x0: {  	s1 =	sld [smem:$0x3FD9]  }
0x1: {  	s2 =	sld [smem:$0x3FFE];
	_ =	sdelay $0x1  }
0x2: {  	s3 =	srdreg.scid  }
0x3: {  	s0 =	sand.u32 $0x1, s3  }
0x4: {  	s17 =	sshll.u32 s0, $0xA;
	s1 =	sadd.s32 s2, s1  }
0x5: {  	s1 =	sadd.s32 s1, s17  }
0x6: {  	[smem:$0x3FC1] =	sst s1  }
0x7: {  	_ = 	snop  }
0x8: {  	(tm) =	ssettm $0x1  }
0x9: {  	s18 =	sld [smem:$0x3FFB];
	_ =	sdelay $0x3  }
0xa: {  	_ =	strace s18  }
0xb: {  	s1 =	sld [smem:$0x3FFC];
	_ =	sdelay $0x3  }
0xc: {  	_ =	strace s1  }
0xd: {  	s1 =	sld [smem:$0x3FFD];
	_ =	sdelay $0x3  }
0xe: {  	_ =	strace s1  }
0xf: {  	_ =	strace $0x8FFFFFFF  }
0x10: {  	s19 =	sld [smem:$0x3FDB];
	_ =	sdelay $0x1  }
0x11: {  	s20 =	simm.s32 $_scs_section_size  }
0x12: {  	s4 =	simm.s32 $_size__tile_overlayer_lowered;
	s5 =	simm.s32 $_tile_overlayer_lowered  }
0x13: {  	s23 =	simm.s32 $0x1BFF;
	s22 =	sshll.u32 s5, $0x1;
	s1 =	sadd.s32 s20, s19  }
0x14: {  	s6 =	simm.s32 $0x0;
	s21 =	sshll.u32 s4, $0x1;
	s4 =	sadd.s32 s22, s1  }
0x15: {  	[timem:s6], [sflag:s23] =	dma.local [hbm:s4], s21  }
0x16: {  	_ =	swait.ge [sflag:s23], s21  }
0x17: {  	s2 =	ssub.s32 $0x0, s21;
	[sflag:s23] =	ssyncset.done $0x0  }
0x18: {  	[sflag:s23] =	ssyncadd.s32 s2;
	_ =	sdelay $0x1  }
0x19: {  	s24 =	simm.s32 $0x1B8B  }
0x1a: {  	_ =	swait.ge [sflag:s24], $0x1  }
0x1b: {  	[sflag:s24] =	ssyncset.done $0x0  }
0x1c: {  	s26 =	simm.s32 $0x1B8E;
	s25 =	sld [smem:$0x3FFE];
	[sflag:s24] =	ssyncadd.s32 $0xFFFFFFFF  }
0x1d: {  	s27 =	simm.s32 $execute0_lowered;
	[smem:$0x3FD2] =	sst s26  }
0x1e: {  	s4 =	sshll.u32 s27, $0x1;
	_ =	strace $0x80000046;
	[dreg:$0x1] =	wrdreg $0xFFFFFFFF  }
0x1f: {  	s28 =	simm.s32 $_size_execute0_lowered;
	s1 =	sadd.s32 s1, s4;
	[dreg:$0x0] =	wrdreg $0x0  }
0x20: {  	s4 =	sshll.u32 s28, $0x1;
	[dreg:$0x2] =	wrdreg s1  }
0x21: {  	[dreg:$0x3] =	wrdreg s4  }
0x22: {  	[dreg:$0x4] =	wrdreg $0xC0  }
0x23: {  	_ =	task [dreg:s6], $0x5FFFF  }
0x24: {  	[dreg:$0x1] =	wrdreg $0xFFFFFFFF  }
0x25: {  	[dreg:$0x0] =	wrdreg $0x60  }
0x26: {  	[dreg:$0x2] =	wrdreg s25  }
0x27: {  	[dreg:$0x3] =	wrdreg $0x9  }
0x28: {  	_ =	task.clear_ibuf [dreg:s6], $0x4FFFF;
	_ =	strace $0x90000046  }
0x29: {  	s29 =	simm.s32 $0x9;
	_ =	strace $0x80000048  }
0x2a: {  	_ =	swait.ge [sflag:s29], $0x1  }
0x2b: {  	[sflag:s29] =	ssyncadd.s32 $0xFFFFFFFF  }
0x2c: {  	_ =	strace $0x90000048  }
0x2d: {  	_ =	sfence  }
0x2e: {  	s30 =	sld [smem:$0x0];
	_ =	sdelay $0x2  }
0x2f: {  	s31 =	sshll.u32 s3, $0xD;
	s3 =	sshrl.u32 s3, $0x2  }
0x30: {  	s2 =	sand.u32 $0x4000, s31;
	s1 =	sadd.s32 s3, s30  }
0x31: {  	s0 =	sor.u32 s2, s0;
	s1 =	sshll.u32 s1, $0x11  }
0x32: {  	s0 =	sor.u32 s1, s0  }
0x33: {  	s0 =	sadd.s32 $0x8F2B, s0  }
0x34: {  	[sflag:s0] =	ssyncadd.remote.s32 $0x1  }
0x35: {  	_ =	sfence.sel $0xFFFF  }
0x36: {  	[dreg:$0x0] =	wrdreg $0xFFFFFFFF;
	(pc) =	sbr.abs _section_cstart, $3  }
0x37: {  	[dreg:$0x1] =	wrdreg $0xFFFFFFFF  }
0x38: {  	_ =	task.clear_ibuf [dreg:s6], $0x2FFFF;
	_ =	strace $0x9FFFFFFF  }
0x39: {  	(tm) =	ssettm $0x7FFFFFFF  }
tec
execute0_lowered:
.L_overlay_start_1:
0x0: {  	(tag) =	ssettag $0x1  }
0x1: {  	s0 =	stileid.u32;
	s1 =	srdreg.scid  }
0x2: {  	s7 =	rddreg [dreg:$0x0];
	s31 =	simm.s32 $0x2;
	s15 =	simm.s32 $0x0  }
0x3: {  	s9 =	simm.s32 $0x80;
	s2 =	sshll.u32 s0, $0x6;
	s1 =	sshll.u32 s1, $0xA  }
0x4: {  	s10 =	simm.s32 $0x100;
	s1 =	sor.u32 s2, s1;
	s2 =	sand.u32 $0x1, s0  }
0x5: {  	s11 =	simm.s32 $0x0;
	s1 =	sand.u32 $0x780, s1;
	s4 =	ssub.s32 $0x2, s2  }
0x6: {  	s16 =	simm.s32 $0x0;
	s3 =	ssub.s32 $0x9000, s1;
	s6 =	sshrl.u32 s4, $0x1  }
0x7: {  	s4 =	sand.u32 $0x1, s4;
	s5 =	sand.u32 $0x780, s3;
	s8 =	sshrl.u32 s3, $0xB  }
0x8: {  	s3 =	rddreg [dreg:$0x1];
	p0 =	sne.s32 s5, $0x0;
	s5 =	simm.s32 $0x1  }
.Ltmp0:
0x9: {  	s6 =	sadd.s32 s4, s6;
	s5 =	simm.s32 @!p0 $0x0;
	(pc) =	sbr.rel .LBB1_1-.Ltmp0, $4  }
0xa: {  	_ =	strace $0x80000047;
	s4 =	simm.s32 $0x1;
	s5 =	sadd.s32 s5, s8  }
0xb: {  	s14 =	simm.s32 $0x0;
	[sflag:s4] =	ssyncpa.u1 $0x0;
	s5 =	smul.u32 s6, s5  }
0xc: {  	s13 =	smov.u32 s2;
	s12 =	smov.u32 s1;
	[sflag:s31] =	ssyncpa.u1 $0x0  }
0xd: {  	s6 =	sadd.s32 $0x121800, s7;
	s7 =	sadd.s32 $0x1800, s7;
	s8 =	sadd.s32 $0x1, s5  }
.LBB1_4:
0xe: {  	_ =	sdelay $0x3  }
0xf: {  	[tilespmem:v0+s18+$0xFFFFFFA0 ss:$0x1] =	vst.idx.msk $0xffff, v6  }
0x10: {  	v56 =	vld.idx.msk [tilespmem:v1+s19+$0x30 ss:$0x1], $0xffff;
	[tilespmem:v0+s18+$0xFFFFFFB0 ss:$0x1] =	vst.idx.msk $0xffff, v4  }
0x11: {  	v57 =	vld.idx.msk [tilespmem:v1+s19+$0xFFFFFFC0 ss:$0x1], $0xffff;
	[tilespmem:v0+s18+$0xFFFFFFC0 ss:$0x1] =	vst.idx.msk $0xffff, v2  }
0x12: {  	v58 =	vld.idx.msk [tilespmem:v1+s19+$0xFFFFFFD0 ss:$0x1], $0xffff;
	[tilespmem:v0+s18+$0xFFFFFFD0 ss:$0x1] =	vst.idx.msk $0xffff, v3  }
0x13: {  	v59 =	vld.idx.msk [tilespmem:v1+s19+$0xFFFFFFE0 ss:$0x1], $0xffff;
	[tilespmem:v0+s18+$0xFFFFFFE0 ss:$0x1] =	vst.idx.msk $0xffff, v5  }
0x14: {  	v60 =	vld.idx.msk [tilespmem:v1+s19+$0xFFFFFFF0 ss:$0x1], $0xffff;
	[tilespmem:v0+s18+$0xFFFFFFF0 ss:$0x1] =	vst.idx.msk $0xffff, v7  }
0x15: {  	v61 =	vld.idx.msk [tilespmem:v1+s19+$0x0 ss:$0x1], $0xffff;
	[tilespmem:v0+s19+$0x0 ss:$0x1] =	vst.idx.msk $0xffff, v56  }
0x16: {  	v62 =	vld.idx.msk [tilespmem:v1+s19+$0x10 ss:$0x1], $0xffff;
	[tilespmem:v0+s19+$0xFFFFFF90 ss:$0x1] =	vst.idx.msk $0xffff, v57  }
0x17: {  	v63 =	vld.idx.msk [tilespmem:v1+s19+$0x20 ss:$0x1], $0xffff;
	[tilespmem:v0+s19+$0xFFFFFFA0 ss:$0x1] =	vst.idx.msk $0xffff, v58  }
0x18: {  	[tilespmem:v0+s19+$0xFFFFFFB0 ss:$0x1] =	vst.idx.msk $0xffff, v59  }
0x19: {  	s16 =	sshll.u32 s16, $0x4;
	[tilespmem:v0+s19+$0xFFFFFFC0 ss:$0x1] =	vst.idx.msk $0xffff, v60  }
0x1a: {  	s16 =	sand.u32 $0x10, s16;
	[tilespmem:v0+s19+$0xFFFFFFD0 ss:$0x1] =	vst.idx.msk $0xffff, v61  }
0x1b: {  	s15 =	sshll.u32 s15, $0x5;
	s16 =	sadd.s32 s7, s16;
	[tilespmem:v0+s19+$0xFFFFFFE0 ss:$0x1] =	vst.idx.msk $0xffff, v62  }
0x1c: {  	s15 =	sadd.s32 s15, s16;
	[tilespmem:v0+s19+$0xFFFFFFF0 ss:$0x1] =	vst.idx.msk $0xffff, v63  }
0x1d: {  	[hbm4b:s15+s9] =	stream.strided.scatter [tilespmem:s17], [sflag:$0x2], $0x4000, s10, s9, $0x38;
	[tilespmem:$0x10000] =	vst v63  }
.LBB1_5:
0x1e: {  	s17 =	sadd.s32 $0x800, s12  }
0x1f: {  	s15 =	sadd.s32 $0x2, s13;
	s19 =	smov.u32 s13;
	p1 =	sgt.s32 s17, $0x8FFF  }
0x20: {  	s19 =	smov.u32 @p1 s15  }
0x21: {  	s17 =	smov.u32 @p1 s1;
	p1 =	sgt.s32 s19, $0x1  }
0x22: {  	s19 =	smov.u32 @p1 s2;
	p1 =	sne.s32 s14, s8  }
.Ltmp1:
0x23: {  	p0 =	slt.u32 s14, $0x2;
	(pc) =	sbr.rel @!p1 .LBB1_6-.Ltmp1, $4  }
0x24: {  	s18 =	simm.s32 @!p0 $0x2  }
0x25: {  	s16 =	smov.u32 s13;
	s11 =	sadd.s32 $0x4000, s11;
	_ =	swait.ge @!p0 [sflag:s18], $0x4000  }
0x26: {  	s15 =	smov.u32 s12;
	[sflag:s18] =	ssyncset.done @!p0 $0x0;
	s12 =	smov.u32 s17  }
0x27: {  	s14 =	sadd.s32 $0x1, s14;
	[sflag:s18] =	ssyncadd.s32 @!p0 $0xFFFFC000;
	s13 =	smov.u32 s19  }
.LBB1_1:
0x28: {  	p0 =	sge.u32 s14, s5  }
0x29: {  	s17 =	sand.u32 @!p0 $0x1FFFFFF, s12  }
0x2a: {  	s18 =	smulhi.u32 @!p0 $0xE38E39, s17;
	_ =	sdelay $0x1  }
0x2b: {  	s18 =	sshrl.u32 @!p0 s18, $0x7  }
0x2c: {  	s18 =	smul.u32 @!p0 $0x9000, s18  }
0x2d: {  	s19 =	smul.u32 @!p0 $0x90000, s13  }
0x2e: {  	s31 =	sadd.s32 $0xFFFFFFFF, s14;
	s17 =	ssub.s32 @!p0 s17, s18;
	s18 =	sxor.u32 @!p0 $0xFFFFFFFF, s14  }
0x2f: {  	s19 =	sadd.s32 @!p0 s6, s19;
	s18 =	sshll.u32 @!p0 s18, $0xE;
	s17 =	sshll.u32 @!p0 s17, $0x4  }
0x30: {  	s18 =	sand.u32 @!p0 $0x4000, s18;
	s17 =	sadd.s32 @!p0 s17, s19;
	s19 =	simm.s32 @!p0 $0x0  }
0x31: {  	[tilespmem:s18], [sflag:$0x1] =	stream.linear.gather @!p0 [hbm4b:s17+s19], $0x4000, $0x38;
	[tilespmem:$0x10000] =	vst v63  }
0x32: {  	p0 =	sge.u32 s31, s5  }
.Ltmp2:
0x33: {  	_ = 	snop;
	(pc) =	sbr.rel @p0 .LBB1_5-.Ltmp2, $1  }
0x34: {  	_ =	sdelay $0x3  }
0x35: {  	s17 =	sand.u32 $0x4000, s11  }
0x36: {  	s18 =	sor.u32 $0x40, s17  }
0x37: {  	v1 =	vmov s18;
	_ =	sdelay $0x1  }
0x38: {  	_ =	swait.ge [sflag:s4], $0x4000  }
0x39: {  	[sflag:s4] =	ssyncset.done $0x0  }
0x3a: {  	[sflag:s4] =	ssyncadd.s32 $0xFFFFC000;
	s18 =	simm.s32 $0x0  }
0x3b: {  	s17 =	sor.u32 $0x8070, s17;
	v7 =	vld.idx.msk [tilespmem:v1+s18+$0x30 ss:$0x1], $0xffff  }
0x3c: {  	v0 =	vmov s17;
	v8 =	vld.idx.msk [tilespmem:v1+s18+$0xFFFFFFC0 ss:$0x1], $0xffff  }
0x3d: {  	v6 =	vld.idx.msk [tilespmem:v1+s18+$0xFFFFFFD0 ss:$0x1], $0xffff  }
0x3e: {  	v4 =	vld.idx.msk [tilespmem:v1+s18+$0xFFFFFFE0 ss:$0x1], $0xffff  }
0x3f: {  	v2 =	vld.idx.msk [tilespmem:v1+s18+$0xFFFFFFF0 ss:$0x1], $0xffff  }
0x40: {  	s31 =	sshll.u32 s14, $0xE;
	v3 =	vld.idx.msk [tilespmem:v1+s18+$0x0 ss:$0x1], $0xffff  }
0x41: {  	s17 =	sand.u32 $0x4000, s31;
	v5 =	vld.idx.msk [tilespmem:v1+s18+$0x10 ss:$0x1], $0xffff;
	[tilespmem:v0+s18+$0x0 ss:$0x1] =	vst.idx.msk $0xffff, v7  }
0x42: {  	s19 =	simm.s32 $0x80;
	s20 =	simm.s32 $0x400;
	s17 =	sor.u32 $0x8000, s17;
	[tilespmem:v0+s18+$0xFFFFFF90 ss:$0x1] =	vst.idx.msk $0xffff, v8;
	v7 =	vld.idx.msk [tilespmem:v1+s18+$0x20 ss:$0x1], $0xffff  }
.LBB1_3:
0x43: {  	p0 =	sne.s32 s20, $0xFE00;
	v8 =	vld.idx.msk [tilespmem:v1+s19+$0x30 ss:$0x1], $0xffff;
	[tilespmem:v0+s18+$0xFFFFFFA0 ss:$0x1] =	vst.idx.msk $0xffff, v6  }
0x44: {  	v9 =	vld.idx.msk [tilespmem:v1+s19+$0xFFFFFFC0 ss:$0x1], $0xffff;
	[tilespmem:v0+s18+$0xFFFFFFB0 ss:$0x1] =	vst.idx.msk $0xffff, v4  }
0x45: {  	v6 =	vld.idx.msk [tilespmem:v1+s19+$0xFFFFFFD0 ss:$0x1], $0xffff;
	[tilespmem:v0+s18+$0xFFFFFFC0 ss:$0x1] =	vst.idx.msk $0xffff, v2  }
.Ltmp3:
0x46: {  	v4 =	vld.idx.msk [tilespmem:v1+s19+$0xFFFFFFE0 ss:$0x1], $0xffff;
	[tilespmem:v0+s18+$0xFFFFFFD0 ss:$0x1] =	vst.idx.msk $0xffff, v3;
	(pc) =	sbr.rel @p0 .LBB1_3-.Ltmp3, $4  }
0x47: {  	v2 =	vld.idx.msk [tilespmem:v1+s19+$0xFFFFFFF0 ss:$0x1], $0xffff;
	[tilespmem:v0+s18+$0xFFFFFFE0 ss:$0x1] =	vst.idx.msk $0xffff, v5  }
0x48: {  	v3 =	vld.idx.msk [tilespmem:v1+s19+$0x0 ss:$0x1], $0xffff;
	[tilespmem:v0+s18+$0xFFFFFFF0 ss:$0x1] =	vst.idx.msk $0xffff, v7;
	s18 =	smov.u32 s19  }
0x49: {  	v5 =	vld.idx.msk [tilespmem:v1+s18+$0x10 ss:$0x1], $0xffff;
	[tilespmem:v0+s18+$0x0 ss:$0x1] =	vst.idx.msk $0xffff, v8  }
0x4a: {  	s19 =	sshra.s32 s20, $0x2;
	s20 =	sadd.s32 $0x200, s20;
	[tilespmem:v0+s18+$0xFFFFFF90 ss:$0x1] =	vst.idx.msk $0xffff, v9;
	v7 =	vld.idx.msk [tilespmem:v1+s18+$0x20 ss:$0x1], $0xffff  }
.Ltmp4:
0x4b: {  	_ = 	snop;
	(pc) =	sbr.rel .LBB1_4-.Ltmp4, $1  }
0x4c: {  	_ =	sdelay $0x3  }
.LBB1_6:
0x4d: {  	_ =	sfence.sel $0x180000  }
0x4e: {  	s1 =	simm.s32 $0x1;
	[bflag:$0x0] =	sbarrier.arrive $0xFFFF  }
0x4f: {  	s31 =	simm.s32 $0x2;
	[sflag:s1] =	ssyncpa.u1 $0x1  }
0x50: {  	[sflag:s31] =	ssyncpa.u1 $0x1  }
0x51: {  	p0 =	sne.s32 s0, $0x0;
	_ =	strace $0x90000047  }
0x52: {  	s0 =	sadd.s32 @!p0 $0x100000, s3;
	[bflag:$0x2] =	sbarrier.arrive $0xFFFF  }
0x53: {  	[sflag:s0] =	ssyncadd.tile.s32 @!p0 $0x1;
	_ =	shalt  }
.Lfunc_end1:
_tile_overlayer_lowered:
.L_overlay_start_2:
0x54: {  	(tag) =	ssettag $0x2  }
0x55: {  	s0 =	rddreg [dreg:$0x0];
	s2 =	stileid.u32  }
0x56: {  	s1 =	rddreg [dreg:$0x1];
	p0 =	sne.s32 s2, $0x0  }
0x57: {  	s3 =	rddreg [dreg:$0x2];
	[bflag:$0x3] =	sbarrier.arrive $0xFFFF;
	s2 =	simm.s32 @!p0 $0x1C01  }
0x58: {  	[timem:s3], [sflag:s2] =	dma.local @!p0 [hbm:s0], s1  }
0x59: {  	s0 =	simm.s32 @!p0 $0x1  }
0x5a: {  	_ =	swait.ge @!p0 [sflag:s0], s1  }
0x5b: {  	s1 =	ssub.s32 @!p0 $0x0, s1;
	[sflag:s0] =	ssyncset.done @!p0 $0x0  }
0x5c: {  	[sflag:s0] =	ssyncadd.s32 @!p0 s1  }
0x5d: {  	[bflag:$0x3] =	sbarrier.arrive $0xFFFF  }
0x5e: {  	_ =	shalt  }

</sc_bundles>
